<compile_context>
chip_gen: v7x
topology: tpu7x:2x2x1
jax: 0.10.2.dev20260603
libtpu: 0.0.44.dev20260713+nightly
codegen_flags: <defaults>
</compile_context>

<pallas_src>
import functools

import jax
import jax.numpy as jnp
from jax import lax
from jax.experimental import pallas as pl
from jax.experimental.pallas import tpu as pltpu
from jax.experimental.pallas import tpu_sc as plsc

_ORDER = 16
_LANES = 16


def _build_sc_gather(shape2d, num_workers: int, col_chunk: int):
    rows, cols = shape2d
    cols_per_w = cols // num_workers
    nchunks = cols_per_w // col_chunk
    slices_per_row = col_chunk // _LANES

    mesh = plsc.VectorSubcoreMesh(core_axis_name="c", subcore_axis_name="s")

    @functools.partial(
        pl.kernel,
        mesh=mesh,
        out_type=jax.ShapeDtypeStruct(shape2d, jnp.float32),
        scratch_types=[
            pltpu.VMEM((_ORDER,), jnp.float32),
            pltpu.VMEM((4, rows, col_chunk), jnp.int32),
            pltpu.SemaphoreType.DMA,
            pltpu.SemaphoreType.DMA((4,)),
            pltpu.SemaphoreType.DMA((4,)),
        ],
        compiler_params=pltpu.CompilerParams(
            needs_layout_passes=False, skip_device_barrier=True
        ),
    )
    def sc_gather(idx_hbm, tbl_hbm, out_hbm, tbl_v, buf_v, tsem, isem, osem):
        wid = lax.axis_index("s") * 2 + lax.axis_index("c")
        col0 = wid * cols_per_w
        val_v = buf_v.bitcast(jnp.float32)

        def idx_copy(c, buf):
            return pltpu.make_async_copy(
                idx_hbm.at[:, pl.ds(col0 + c * col_chunk, col_chunk)],
                buf_v.at[buf],
                isem.at[buf],
            )

        def out_copy(c, buf):
            return pltpu.make_async_copy(
                val_v.at[buf],
                out_hbm.at[:, pl.ds(col0 + c * col_chunk, col_chunk)],
                osem.at[buf],
            )

        tbl_copy = pltpu.make_async_copy(tbl_hbm, tbl_v, tsem)
        tbl_copy.start()
        for c in range(nchunks):
            idx_copy(c, c).start()
        tbl_copy.wait()
        tbl = tbl_v[...]

        for c in range(nchunks):
            idx_copy(c, c).wait()

            @plsc.parallel_loop(0, rows, 1, unroll=2)
            def vec_body(r):
                for j in range(slices_per_row):
                    sl = pl.ds(j * _LANES, _LANES)
                    val_v[c, r, sl] = jnp.take_along_axis(
                        tbl, buf_v[c, r, sl], axis=0,
                        mode="promise_in_bounds",
                    )

            out_copy(c, c).start()
        for c in range(nchunks):
            out_copy(c, c).wait()

    return sc_gather


def kernel(input, val_table):
    inp_t = input.T
    fn = _build_sc_gather(inp_t.shape, num_workers=32, col_chunk=128)
    out_t = fn(inp_t, val_table)
    return out_t.T

# --- scband reference (transcript-rebuilt; emitter-appended) ---
"""Pipeline reference for scband-group-8091718385766 (READ-ONLY COPY).

The authoritative reference and input builder live on the scoring server;
editing this copy changes nothing except your own understanding.
"""

import jax, jax.numpy as jnp
import numpy as np

ORDER = 16
BATCH = 16384
HIST = 200


def setup_inputs(seed: int = 0) -> dict:
    key = jax.random.key(seed)
    k1, k2 = jax.random.split(key)
    inp = jax.random.randint(k1, (BATCH, HIST), 0, ORDER, dtype=jnp.int32)
    val_table = jax.random.normal(k2, (ORDER,), dtype=jnp.float32)
    return {"input": inp, "val_table": val_table}


def reference(input, val_table):
    # Group.forward: val_table[input]  (embedding-style gather from group
    # function value table, one value per group element index)
    assert val_table.shape[0] == ORDER
    return jnp.take(val_table, input, axis=0)

if __name__ == "__main__":
    import jax
    _d = setup_inputs()
    print(jax.jit(kernel)(*tuple(_d.values())))

</pallas_src>

<mosaic_0001>
#map = affine_map<(d0, d1) -> (0, 0)>
#map1 = affine_map<(d0, d1) -> (0)>
module attributes {stable_mosaic.version = 14 : i64} {
  func.func @sc_gather(%arg0: i32, %arg1: i32, %arg2: memref<200x16384xi32, #tpu.memory_space<hbm>>, %arg3: memref<16xf32, #tpu.memory_space<hbm>>, %arg4: memref<200x16384xf32, #tpu.memory_space<hbm>>, %arg5: memref<16xf32, #tpu.memory_space<vmem>>, %arg6: memref<4x200x128xi32, #tpu.memory_space<vmem>>, %arg7: memref<!tpu.dma_semaphore, #tpu.memory_space<semaphore_mem>>, %arg8: memref<4x!tpu.dma_semaphore, #tpu.memory_space<semaphore_mem>>, %arg9: memref<4x!tpu.dma_semaphore, #tpu.memory_space<semaphore_mem>>) attributes {dimension_semantics = [#tpu.dimension_semantics<core_parallel>, #tpu.dimension_semantics<subcore_parallel>], iteration_bounds = array<i64: 2, 16>, scalar_prefetch = 0 : i64, scratch_operands = 5 : i64, tpu.core_type = #tpu.core_type<sc_vector_subcore>, window_params = [{transform_indices = #map}, {transform_indices = #map1}, {transform_indices = #map}]} {
    %mul3A = arith.constant 2 : i32
    %mul3A_0 = arith.muli %arg1, %mul3A : i32
    %add3A = arith.addi %mul3A_0, %arg0 : i32
    %mul3A_1 = arith.constant 512 : i32
    %mul3A_2 = arith.muli %add3A, %mul3A_1 : i32
    tpu.enqueue_dma source(%arg3 : memref<16xf32, #tpu.memory_space<hbm>>) target(%arg5 : memref<16xf32, #tpu.memory_space<vmem>>) target_semaphore(%arg7 : memref<!tpu.dma_semaphore, #tpu.memory_space<semaphore_mem>>)
    %add3A_3 = arith.constant 0 : i32
    %add3A_4 = arith.addi %mul3A_2, %add3A_3 : i32
    %dma_start3A = arith.constant 0 : i32
    %dma_start3A_5 = arith.constant 0 : i32
    %dma_start3A_6 = arith.constant 0 : i32
    %dma_start3A_7 = arith.constant 0 : i32
    %dma_start3A_8 = tpu.memref_slice %arg6[%dma_start3A, %dma_start3A_6, %dma_start3A_7] : memref<4x200x128xi32, #tpu.memory_space<vmem>> -> memref<1x200x128xi32, #tpu.memory_space<vmem>>
    %dma_start3A_9 = tpu.memref_squeeze %dma_start3A_8 : memref<1x200x128xi32, #tpu.memory_space<vmem>> -> memref<200x128xi32, #tpu.memory_space<vmem>>
    %dma_start3A_10 = arith.constant 0 : i32
    %dma_start3A_11 = tpu.memref_slice %arg2[%dma_start3A_10, %add3A_4] : memref<200x16384xi32, #tpu.memory_space<hbm>> -> memref<200x128xi32, #tpu.memory_space<hbm>>
    %dma_start3A_12 = tpu.memref_slice %arg8[%dma_start3A_5] : memref<4x!tpu.dma_semaphore, #tpu.memory_space<semaphore_mem>> -> memref<1x!tpu.dma_semaphore, #tpu.memory_space<semaphore_mem>>
    %dma_start3A_13 = tpu.memref_squeeze %dma_start3A_12 : memref<1x!tpu.dma_semaphore, #tpu.memory_space<semaphore_mem>> -> memref<!tpu.dma_semaphore, #tpu.memory_space<semaphore_mem>>
    %dma_start3A_14 = arith.constant 0 : i32
    %dma_start3A_15 = arith.constant 0 : i32
    %dma_start3A_16 = tpu.memref_slice %arg6[%dma_start3A, %dma_start3A_14, %dma_start3A_15] : memref<4x200x128xi32, #tpu.memory_space<vmem>> -> memref<1x200x128xi32, #tpu.memory_space<vmem>>
    %dma_start3A_17 = tpu.memref_squeeze %dma_start3A_16 : memref<1x200x128xi32, #tpu.memory_space<vmem>> -> memref<200x128xi32, #tpu.memory_space<vmem>>
    %dma_start3A_18 = arith.constant 0 : i32
    %dma_start3A_19 = tpu.memref_slice %arg2[%dma_start3A_18, %add3A_4] : memref<200x16384xi32, #tpu.memory_space<hbm>> -> memref<200x128xi32, #tpu.memory_space<hbm>>
    tpu.enqueue_dma source(%dma_start3A_19 : memref<200x128xi32, #tpu.memory_space<hbm>>) target(%dma_start3A_17 : memref<200x128xi32, #tpu.memory_space<vmem>>) target_semaphore(%dma_start3A_13 : memref<!tpu.dma_semaphore, #tpu.memory_space<semaphore_mem>>)
    %add3A_20 = arith.constant 128 : i32
    %add3A_21 = arith.addi %mul3A_2, %add3A_20 : i32
    %dma_start3A_22 = arith.constant 1 : i32
    %dma_start3A_23 = arith.constant 1 : i32
    %dma_start3A_24 = arith.constant 0 : i32
    %dma_start3A_25 = arith.constant 0 : i32
    %dma_start3A_26 = tpu.memref_slice %arg6[%dma_start3A_22, %dma_start3A_24, %dma_start3A_25] : memref<4x200x128xi32, #tpu.memory_space<vmem>> -> memref<1x200x128xi32, #tpu.memory_space<vmem>>
    %dma_start3A_27 = tpu.memref_squeeze %dma_start3A_26 : memref<1x200x128xi32, #tpu.memory_space<vmem>> -> memref<200x128xi32, #tpu.memory_space<vmem>>
    %dma_start3A_28 = arith.constant 0 : i32
    %dma_start3A_29 = tpu.memref_slice %arg2[%dma_start3A_28, %add3A_21] : memref<200x16384xi32, #tpu.memory_space<hbm>> -> memref<200x128xi32, #tpu.memory_space<hbm>>
    %dma_start3A_30 = tpu.memref_slice %arg8[%dma_start3A_23] : memref<4x!tpu.dma_semaphore, #tpu.memory_space<semaphore_mem>> -> memref<1x!tpu.dma_semaphore, #tpu.memory_space<semaphore_mem>>
    %dma_start3A_31 = tpu.memref_squeeze %dma_start3A_30 : memref<1x!tpu.dma_semaphore, #tpu.memory_space<semaphore_mem>> -> memref<!tpu.dma_semaphore, #tpu.memory_space<semaphore_mem>>
    %dma_start3A_32 = arith.constant 0 : i32
    %dma_start3A_33 = arith.constant 0 : i32
    %dma_start3A_34 = tpu.memref_slice %arg6[%dma_start3A_22, %dma_start3A_32, %dma_start3A_33] : memref<4x200x128xi32, #tpu.memory_space<vmem>> -> memref<1x200x128xi32, #tpu.memory_space<vmem>>
    %dma_start3A_35 = tpu.memref_squeeze %dma_start3A_34 : memref<1x200x128xi32, #tpu.memory_space<vmem>> -> memref<200x128xi32, #tpu.memory_space<vmem>>
    %dma_start3A_36 = arith.constant 0 : i32
    %dma_start3A_37 = tpu.memref_slice %arg2[%dma_start3A_36, %add3A_21] : memref<200x16384xi32, #tpu.memory_space<hbm>> -> memref<200x128xi32, #tpu.memory_space<hbm>>
    tpu.enqueue_dma source(%dma_start3A_37 : memref<200x128xi32, #tpu.memory_space<hbm>>) target(%dma_start3A_35 : memref<200x128xi32, #tpu.memory_space<vmem>>) target_semaphore(%dma_start3A_31 : memref<!tpu.dma_semaphore, #tpu.memory_space<semaphore_mem>>)
    %add3A_38 = arith.constant 256 : i32
    %add3A_39 = arith.addi %mul3A_2, %add3A_38 : i32
    %dma_start3A_40 = arith.constant 2 : i32
    %dma_start3A_41 = arith.constant 2 : i32
    %dma_start3A_42 = arith.constant 0 : i32
    %dma_start3A_43 = arith.constant 0 : i32
    %dma_start3A_44 = tpu.memref_slice %arg6[%dma_start3A_40, %dma_start3A_42, %dma_start3A_43] : memref<4x200x128xi32, #tpu.memory_space<vmem>> -> memref<1x200x128xi32, #tpu.memory_space<vmem>>
    %dma_start3A_45 = tpu.memref_squeeze %dma_start3A_44 : memref<1x200x128xi32, #tpu.memory_space<vmem>> -> memref<200x128xi32, #tpu.memory_space<vmem>>
    %dma_start3A_46 = arith.constant 0 : i32
    %dma_start3A_47 = tpu.memref_slice %arg2[%dma_start3A_46, %add3A_39] : memref<200x16384xi32, #tpu.memory_space<hbm>> -> memref<200x128xi32, #tpu.memory_space<hbm>>
    %dma_start3A_48 = tpu.memref_slice %arg8[%dma_start3A_41] : memref<4x!tpu.dma_semaphore, #tpu.memory_space<semaphore_mem>> -> memref<1x!tpu.dma_semaphore, #tpu.memory_space<semaphore_mem>>
    %dma_start3A_49 = tpu.memref_squeeze %dma_start3A_48 : memref<1x!tpu.dma_semaphore, #tpu.memory_space<semaphore_mem>> -> memref<!tpu.dma_semaphore, #tpu.memory_space<semaphore_mem>>
    %dma_start3A_50 = arith.constant 0 : i32
    %dma_start3A_51 = arith.constant 0 : i32
    %dma_start3A_52 = tpu.memref_slice %arg6[%dma_start3A_40, %dma_start3A_50, %dma_start3A_51] : memref<4x200x128xi32, #tpu.memory_space<vmem>> -> memref<1x200x128xi32, #tpu.memory_space<vmem>>
    %dma_start3A_53 = tpu.memref_squeeze %dma_start3A_52 : memref<1x200x128xi32, #tpu.memory_space<vmem>> -> memref<200x128xi32, #tpu.memory_space<vmem>>
    %dma_start3A_54 = arith.constant 0 : i32
    %dma_start3A_55 = tpu.memref_slice %arg2[%dma_start3A_54, %add3A_39] : memref<200x16384xi32, #tpu.memory_space<hbm>> -> memref<200x128xi32, #tpu.memory_space<hbm>>
    tpu.enqueue_dma source(%dma_start3A_55 : memref<200x128xi32, #tpu.memory_space<hbm>>) target(%dma_start3A_53 : memref<200x128xi32, #tpu.memory_space<vmem>>) target_semaphore(%dma_start3A_49 : memref<!tpu.dma_semaphore, #tpu.memory_space<semaphore_mem>>)
    %add3A_56 = arith.constant 384 : i32
    %add3A_57 = arith.addi %mul3A_2, %add3A_56 : i32
    %dma_start3A_58 = arith.constant 3 : i32
    %dma_start3A_59 = arith.constant 3 : i32
    %dma_start3A_60 = arith.constant 0 : i32
    %dma_start3A_61 = arith.constant 0 : i32
    %dma_start3A_62 = tpu.memref_slice %arg6[%dma_start3A_58, %dma_start3A_60, %dma_start3A_61] : memref<4x200x128xi32, #tpu.memory_space<vmem>> -> memref<1x200x128xi32, #tpu.memory_space<vmem>>
    %dma_start3A_63 = tpu.memref_squeeze %dma_start3A_62 : memref<1x200x128xi32, #tpu.memory_space<vmem>> -> memref<200x128xi32, #tpu.memory_space<vmem>>
    %dma_start3A_64 = arith.constant 0 : i32
    %dma_start3A_65 = tpu.memref_slice %arg2[%dma_start3A_64, %add3A_57] : memref<200x16384xi32, #tpu.memory_space<hbm>> -> memref<200x128xi32, #tpu.memory_space<hbm>>
    %dma_start3A_66 = tpu.memref_slice %arg8[%dma_start3A_59] : memref<4x!tpu.dma_semaphore, #tpu.memory_space<semaphore_mem>> -> memref<1x!tpu.dma_semaphore, #tpu.memory_space<semaphore_mem>>
    %dma_start3A_67 = tpu.memref_squeeze %dma_start3A_66 : memref<1x!tpu.dma_semaphore, #tpu.memory_space<semaphore_mem>> -> memref<!tpu.dma_semaphore, #tpu.memory_space<semaphore_mem>>
    %dma_start3A_68 = arith.constant 0 : i32
    %dma_start3A_69 = arith.constant 0 : i32
    %dma_start3A_70 = tpu.memref_slice %arg6[%dma_start3A_58, %dma_start3A_68, %dma_start3A_69] : memref<4x200x128xi32, #tpu.memory_space<vmem>> -> memref<1x200x128xi32, #tpu.memory_space<vmem>>
    %dma_start3A_71 = tpu.memref_squeeze %dma_start3A_70 : memref<1x200x128xi32, #tpu.memory_space<vmem>> -> memref<200x128xi32, #tpu.memory_space<vmem>>
    %dma_start3A_72 = arith.constant 0 : i32
    %dma_start3A_73 = tpu.memref_slice %arg2[%dma_start3A_72, %add3A_57] : memref<200x16384xi32, #tpu.memory_space<hbm>> -> memref<200x128xi32, #tpu.memory_space<hbm>>
    tpu.enqueue_dma source(%dma_start3A_73 : memref<200x128xi32, #tpu.memory_space<hbm>>) target(%dma_start3A_71 : memref<200x128xi32, #tpu.memory_space<vmem>>) target_semaphore(%dma_start3A_67 : memref<!tpu.dma_semaphore, #tpu.memory_space<semaphore_mem>>)
    tpu.wait_dma2 semaphore(%arg7 : memref<!tpu.dma_semaphore, #tpu.memory_space<semaphore_mem>>) src(%arg3 : memref<16xf32, #tpu.memory_space<hbm>>) dst(%arg5 : memref<16xf32, #tpu.memory_space<vmem>>)
    %get3A = arith.constant 0 : index
    %get3A_74 = tpu.vector_load %arg5[%get3A] {strides = array<i32>} : memref<16xf32, #tpu.memory_space<vmem>>, vector<16xf32>,
    %add3A_75 = arith.constant 0 : i32
    %add3A_76 = arith.addi %mul3A_2, %add3A_75 : i32
    %dma_wait3A = arith.constant 0 : i32
    %dma_wait3A_77 = arith.constant 0 : i32
    %dma_wait3A_78 = arith.constant 0 : i32
    %dma_wait3A_79 = arith.constant 0 : i32
    %dma_wait3A_80 = tpu.memref_slice %arg6[%dma_wait3A, %dma_wait3A_78, %dma_wait3A_79] : memref<4x200x128xi32, #tpu.memory_space<vmem>> -> memref<1x200x128xi32, #tpu.memory_space<vmem>>
    %dma_wait3A_81 = tpu.memref_squeeze %dma_wait3A_80 : memref<1x200x128xi32, #tpu.memory_space<vmem>> -> memref<200x128xi32, #tpu.memory_space<vmem>>
    %dma_wait3A_82 = arith.constant 0 : i32
    %dma_wait3A_83 = tpu.memref_slice %arg2[%dma_wait3A_82, %add3A_76] : memref<200x16384xi32, #tpu.memory_space<hbm>> -> memref<200x128xi32, #tpu.memory_space<hbm>>
    %dma_wait3A_84 = tpu.memref_slice %arg8[%dma_wait3A_77] : memref<4x!tpu.dma_semaphore, #tpu.memory_space<semaphore_mem>> -> memref<1x!tpu.dma_semaphore, #tpu.memory_space<semaphore_mem>>
    %dma_wait3A_85 = tpu.memref_squeeze %dma_wait3A_84 : memref<1x!tpu.dma_semaphore, #tpu.memory_space<semaphore_mem>> -> memref<!tpu.dma_semaphore, #tpu.memory_space<semaphore_mem>>
    %dma_wait3A_86 = arith.constant 0 : i32
    %dma_wait3A_87 = arith.constant 0 : i32
    %dma_wait3A_88 = tpu.memref_slice %arg6[%dma_wait3A, %dma_wait3A_86, %dma_wait3A_87] : memref<4x200x128xi32, #tpu.memory_space<vmem>> -> memref<1x200x128xi32, #tpu.memory_space<vmem>>
    %dma_wait3A_89 = tpu.memref_squeeze %dma_wait3A_88 : memref<1x200x128xi32, #tpu.memory_space<vmem>> -> memref<200x128xi32, #tpu.memory_space<vmem>>
    %dma_wait3A_90 = arith.constant 0 : i32
    %dma_wait3A_91 = tpu.memref_slice %arg2[%dma_wait3A_90, %add3A_76] : memref<200x16384xi32, #tpu.memory_space<hbm>> -> memref<200x128xi32, #tpu.memory_space<hbm>>
    tpu.wait_dma2 semaphore(%dma_wait3A_85 : memref<!tpu.dma_semaphore, #tpu.memory_space<semaphore_mem>>) src(%dma_wait3A_91 : memref<200x128xi32, #tpu.memory_space<hbm>>) dst(%dma_wait3A_89 : memref<200x128xi32, #tpu.memory_space<vmem>>)
    %parallel_loop3A = arith.constant 0 : i32
    %parallel_loop3A_92 = arith.constant 200 : i32
    %parallel_loop3A_93 = arith.constant 1 : i32
    scf.for %parallel_loop3A_317 = %parallel_loop3A to %parallel_loop3A_92 step %parallel_loop3A_93  : i32 {
      %parallel_loop3A_318 = arith.constant 0 : i32
      %parallel_loop3A_319 = arith.index_cast %parallel_loop3A_318 : i32 to index
      %parallel_loop3A_320 = arith.index_cast %parallel_loop3A_317 : i32 to index
      %parallel_loop3A_321 = arith.constant 0 : index
      %parallel_loop3A_322 = tpu.vector_load %arg6[%parallel_loop3A_319, %parallel_loop3A_320, %parallel_loop3A_321] {strides = array<i32>} : memref<4x200x128xi32, #tpu.memory_space<vmem>>, vector<16xi32>,
      %parallel_loop3A_323 = vector.shape_cast %parallel_loop3A_322 : vector<16xi32> to vector<16x1xi32>
      %parallel_loop3A_324 = vector.shape_cast %parallel_loop3A_323 : vector<16x1xi32> to vector<16xi32>
      %parallel_loop3A_325 = tpu.dynamic_gather %get3A_74[%parallel_loop3A_324] in [0] : vector<16xf32>, vector<16xi32> -> vector<16xf32>
      %parallel_loop3A_326 = arith.constant 0 : i32
      %parallel_loop3A_327 = tpu.memref_bitcast %arg6 : memref<4x200x128xi32, #tpu.memory_space<vmem>> -> memref<4x200x128xf32, #tpu.memory_space<vmem>>
      %parallel_loop3A_328 = arith.index_cast %parallel_loop3A_326 : i32 to index
      %parallel_loop3A_329 = arith.index_cast %parallel_loop3A_317 : i32 to index
      %parallel_loop3A_330 = arith.constant 0 : index
      %parallel_loop3A_331 = tpu.vector_load %parallel_loop3A_327[%parallel_loop3A_328, %parallel_loop3A_329, %parallel_loop3A_330] {strides = array<i32>} : memref<4x200x128xf32, #tpu.memory_space<vmem>>, vector<16xf32>,
      tpu.vector_store %parallel_loop3A_327[%parallel_loop3A_328, %parallel_loop3A_329, %parallel_loop3A_330], %parallel_loop3A_325 {strides = array<i32>} : memref<4x200x128xf32, #tpu.memory_space<vmem>>, vector<16xf32>,
      %parallel_loop3A_332 = arith.constant 0 : i32
      %parallel_loop3A_333 = arith.index_cast %parallel_loop3A_332 : i32 to index
      %parallel_loop3A_334 = arith.index_cast %parallel_loop3A_317 : i32 to index
      %parallel_loop3A_335 = arith.constant 16 : index
      %parallel_loop3A_336 = tpu.vector_load %arg6[%parallel_loop3A_333, %parallel_loop3A_334, %parallel_loop3A_335] {strides = array<i32>} : memref<4x200x128xi32, #tpu.memory_space<vmem>>, vector<16xi32>,
      %parallel_loop3A_337 = vector.shape_cast %parallel_loop3A_336 : vector<16xi32> to vector<16x1xi32>
      %parallel_loop3A_338 = vector.shape_cast %parallel_loop3A_337 : vector<16x1xi32> to vector<16xi32>
      %parallel_loop3A_339 = tpu.dynamic_gather %get3A_74[%parallel_loop3A_338] in [0] : vector<16xf32>, vector<16xi32> -> vector<16xf32>
      %parallel_loop3A_340 = arith.constant 0 : i32
      %parallel_loop3A_341 = tpu.memref_bitcast %arg6 : memref<4x200x128xi32, #tpu.memory_space<vmem>> -> memref<4x200x128xf32, #tpu.memory_space<vmem>>
      %parallel_loop3A_342 = arith.index_cast %parallel_loop3A_340 : i32 to index
      %parallel_loop3A_343 = arith.index_cast %parallel_loop3A_317 : i32 to index
      %parallel_loop3A_344 = arith.constant 16 : index
      %parallel_loop3A_345 = tpu.vector_load %parallel_loop3A_341[%parallel_loop3A_342, %parallel_loop3A_343, %parallel_loop3A_344] {strides = array<i32>} : memref<4x200x128xf32, #tpu.memory_space<vmem>>, vector<16xf32>,
      tpu.vector_store %parallel_loop3A_341[%parallel_loop3A_342, %parallel_loop3A_343, %parallel_loop3A_344], %parallel_loop3A_339 {strides = array<i32>} : memref<4x200x128xf32, #tpu.memory_space<vmem>>, vector<16xf32>,
      %parallel_loop3A_346 = arith.constant 0 : i32
      %parallel_loop3A_347 = arith.index_cast %parallel_loop3A_346 : i32 to index
      %parallel_loop3A_348 = arith.index_cast %parallel_loop3A_317 : i32 to index
      %parallel_loop3A_349 = arith.constant 32 : index
      %parallel_loop3A_350 = tpu.vector_load %arg6[%parallel_loop3A_347, %parallel_loop3A_348, %parallel_loop3A_349] {strides = array<i32>} : memref<4x200x128xi32, #tpu.memory_space<vmem>>, vector<16xi32>,
      %parallel_loop3A_351 = vector.shape_cast %parallel_loop3A_350 : vector<16xi32> to vector<16x1xi32>
      %parallel_loop3A_352 = vector.shape_cast %parallel_loop3A_351 : vector<16x1xi32> to vector<16xi32>
      %parallel_loop3A_353 = tpu.dynamic_gather %get3A_74[%parallel_loop3A_352] in [0] : vector<16xf32>, vector<16xi32> -> vector<16xf32>
      %parallel_loop3A_354 = arith.constant 0 : i32
      %parallel_loop3A_355 = tpu.memref_bitcast %arg6 : memref<4x200x128xi32, #tpu.memory_space<vmem>> -> memref<4x200x128xf32, #tpu.memory_space<vmem>>
      %parallel_loop3A_356 = arith.index_cast %parallel_loop3A_354 : i32 to index
      %parallel_loop3A_357 = arith.index_cast %parallel_loop3A_317 : i32 to index
      %parallel_loop3A_358 = arith.constant 32 : index
      %parallel_loop3A_359 = tpu.vector_load %parallel_loop3A_355[%parallel_loop3A_356, %parallel_loop3A_357, %parallel_loop3A_358] {strides = array<i32>} : memref<4x200x128xf32, #tpu.memory_space<vmem>>, vector<16xf32>,
      tpu.vector_store %parallel_loop3A_355[%parallel_loop3A_356, %parallel_loop3A_357, %parallel_loop3A_358], %parallel_loop3A_353 {strides = array<i32>} : memref<4x200x128xf32, #tpu.memory_space<vmem>>, vector<16xf32>,
      %parallel_loop3A_360 = arith.constant 0 : i32
      %parallel_loop3A_361 = arith.index_cast %parallel_loop3A_360 : i32 to index
      %parallel_loop3A_362 = arith.index_cast %parallel_loop3A_317 : i32 to index
      %parallel_loop3A_363 = arith.constant 48 : index
      %parallel_loop3A_364 = tpu.vector_load %arg6[%parallel_loop3A_361, %parallel_loop3A_362, %parallel_loop3A_363] {strides = array<i32>} : memref<4x200x128xi32, #tpu.memory_space<vmem>>, vector<16xi32>,
      %parallel_loop3A_365 = vector.shape_cast %parallel_loop3A_364 : vector<16xi32> to vector<16x1xi32>
      %parallel_loop3A_366 = vector.shape_cast %parallel_loop3A_365 : vector<16x1xi32> to vector<16xi32>
      %parallel_loop3A_367 = tpu.dynamic_gather %get3A_74[%parallel_loop3A_366] in [0] : vector<16xf32>, vector<16xi32> -> vector<16xf32>
      %parallel_loop3A_368 = arith.constant 0 : i32
      %parallel_loop3A_369 = tpu.memref_bitcast %arg6 : memref<4x200x128xi32, #tpu.memory_space<vmem>> -> memref<4x200x128xf32, #tpu.memory_space<vmem>>
      %parallel_loop3A_370 = arith.index_cast %parallel_loop3A_368 : i32 to index
      %parallel_loop3A_371 = arith.index_cast %parallel_loop3A_317 : i32 to index
      %parallel_loop3A_372 = arith.constant 48 : index
      %parallel_loop3A_373 = tpu.vector_load %parallel_loop3A_369[%parallel_loop3A_370, %parallel_loop3A_371, %parallel_loop3A_372] {strides = array<i32>} : memref<4x200x128xf32, #tpu.memory_space<vmem>>, vector<16xf32>,
      tpu.vector_store %parallel_loop3A_369[%parallel_loop3A_370, %parallel_loop3A_371, %parallel_loop3A_372], %parallel_loop3A_367 {strides = array<i32>} : memref<4x200x128xf32, #tpu.memory_space<vmem>>, vector<16xf32>,
      %parallel_loop3A_374 = arith.constant 0 : i32
      %parallel_loop3A_375 = arith.index_cast %parallel_loop3A_374 : i32 to index
      %parallel_loop3A_376 = arith.index_cast %parallel_loop3A_317 : i32 to index
      %parallel_loop3A_377 = arith.constant 64 : index
      %parallel_loop3A_378 = tpu.vector_load %arg6[%parallel_loop3A_375, %parallel_loop3A_376, %parallel_loop3A_377] {strides = array<i32>} : memref<4x200x128xi32, #tpu.memory_space<vmem>>, vector<16xi32>,
      %parallel_loop3A_379 = vector.shape_cast %parallel_loop3A_378 : vector<16xi32> to vector<16x1xi32>
      %parallel_loop3A_380 = vector.shape_cast %parallel_loop3A_379 : vector<16x1xi32> to vector<16xi32>
      %parallel_loop3A_381 = tpu.dynamic_gather %get3A_74[%parallel_loop3A_380] in [0] : vector<16xf32>, vector<16xi32> -> vector<16xf32>
      %parallel_loop3A_382 = arith.constant 0 : i32
      %parallel_loop3A_383 = tpu.memref_bitcast %arg6 : memref<4x200x128xi32, #tpu.memory_space<vmem>> -> memref<4x200x128xf32, #tpu.memory_space<vmem>>
      %parallel_loop3A_384 = arith.index_cast %parallel_loop3A_382 : i32 to index
      %parallel_loop3A_385 = arith.index_cast %parallel_loop3A_317 : i32 to index
      %parallel_loop3A_386 = arith.constant 64 : index
      %parallel_loop3A_387 = tpu.vector_load %parallel_loop3A_383[%parallel_loop3A_384, %parallel_loop3A_385, %parallel_loop3A_386] {strides = array<i32>} : memref<4x200x128xf32, #tpu.memory_space<vmem>>, vector<16xf32>,
      tpu.vector_store %parallel_loop3A_383[%parallel_loop3A_384, %parallel_loop3A_385, %parallel_loop3A_386], %parallel_loop3A_381 {strides = array<i32>} : memref<4x200x128xf32, #tpu.memory_space<vmem>>, vector<16xf32>,
      %parallel_loop3A_388 = arith.constant 0 : i32
      %parallel_loop3A_389 = arith.index_cast %parallel_loop3A_388 : i32 to index
      %parallel_loop3A_390 = arith.index_cast %parallel_loop3A_317 : i32 to index
      %parallel_loop3A_391 = arith.constant 80 : index
      %parallel_loop3A_392 = tpu.vector_load %arg6[%parallel_loop3A_389, %parallel_loop3A_390, %parallel_loop3A_391] {strides = array<i32>} : memref<4x200x128xi32, #tpu.memory_space<vmem>>, vector<16xi32>,
      %parallel_loop3A_393 = vector.shape_cast %parallel_loop3A_392 : vector<16xi32> to vector<16x1xi32>
      %parallel_loop3A_394 = vector.shape_cast %parallel_loop3A_393 : vector<16x1xi32> to vector<16xi32>
      %parallel_loop3A_395 = tpu.dynamic_gather %get3A_74[%parallel_loop3A_394] in [0] : vector<16xf32>, vector<16xi32> -> vector<16xf32>
      %parallel_loop3A_396 = arith.constant 0 : i32
      %parallel_loop3A_397 = tpu.memref_bitcast %arg6 : memref<4x200x128xi32, #tpu.memory_space<vmem>> -> memref<4x200x128xf32, #tpu.memory_space<vmem>>
      %parallel_loop3A_398 = arith.index_cast %parallel_loop3A_396 : i32 to index
      %parallel_loop3A_399 = arith.index_cast %parallel_loop3A_317 : i32 to index
      %parallel_loop3A_400 = arith.constant 80 : index
      %parallel_loop3A_401 = tpu.vector_load %parallel_loop3A_397[%parallel_loop3A_398, %parallel_loop3A_399, %parallel_loop3A_400] {strides = array<i32>} : memref<4x200x128xf32, #tpu.memory_space<vmem>>, vector<16xf32>,
      tpu.vector_store %parallel_loop3A_397[%parallel_loop3A_398, %parallel_loop3A_399, %parallel_loop3A_400], %parallel_loop3A_395 {strides = array<i32>} : memref<4x200x128xf32, #tpu.memory_space<vmem>>, vector<16xf32>,
      %parallel_loop3A_402 = arith.constant 0 : i32
      %parallel_loop3A_403 = arith.index_cast %parallel_loop3A_402 : i32 to index
      %parallel_loop3A_404 = arith.index_cast %parallel_loop3A_317 : i32 to index
      %parallel_loop3A_405 = arith.constant 96 : index
      %parallel_loop3A_406 = tpu.vector_load %arg6[%parallel_loop3A_403, %parallel_loop3A_404, %parallel_loop3A_405] {strides = array<i32>} : memref<4x200x128xi32, #tpu.memory_space<vmem>>, vector<16xi32>,
      %parallel_loop3A_407 = vector.shape_cast %parallel_loop3A_406 : vector<16xi32> to vector<16x1xi32>
      %parallel_loop3A_408 = vector.shape_cast %parallel_loop3A_407 : vector<16x1xi32> to vector<16xi32>
      %parallel_loop3A_409 = tpu.dynamic_gather %get3A_74[%parallel_loop3A_408] in [0] : vector<16xf32>, vector<16xi32> -> vector<16xf32>
      %parallel_loop3A_410 = arith.constant 0 : i32
      %parallel_loop3A_411 = tpu.memref_bitcast %arg6 : memref<4x200x128xi32, #tpu.memory_space<vmem>> -> memref<4x200x128xf32, #tpu.memory_space<vmem>>
      %parallel_loop3A_412 = arith.index_cast %parallel_loop3A_410 : i32 to index
      %parallel_loop3A_413 = arith.index_cast %parallel_loop3A_317 : i32 to index
      %parallel_loop3A_414 = arith.constant 96 : index
      %parallel_loop3A_415 = tpu.vector_load %parallel_loop3A_411[%parallel_loop3A_412, %parallel_loop3A_413, %parallel_loop3A_414] {strides = array<i32>} : memref<4x200x128xf32, #tpu.memory_space<vmem>>, vector<16xf32>,
      tpu.vector_store %parallel_loop3A_411[%parallel_loop3A_412, %parallel_loop3A_413, %parallel_loop3A_414], %parallel_loop3A_409 {strides = array<i32>} : memref<4x200x128xf32, #tpu.memory_space<vmem>>, vector<16xf32>,
      %parallel_loop3A_416 = arith.constant 0 : i32
      %parallel_loop3A_417 = arith.index_cast %parallel_loop3A_416 : i32 to index
      %parallel_loop3A_418 = arith.index_cast %parallel_loop3A_317 : i32 to index
      %parallel_loop3A_419 = arith.constant 112 : index
      %parallel_loop3A_420 = tpu.vector_load %arg6[%parallel_loop3A_417, %parallel_loop3A_418, %parallel_loop3A_419] {strides = array<i32>} : memref<4x200x128xi32, #tpu.memory_space<vmem>>, vector<16xi32>,
      %parallel_loop3A_421 = vector.shape_cast %parallel_loop3A_420 : vector<16xi32> to vector<16x1xi32>
      %parallel_loop3A_422 = vector.shape_cast %parallel_loop3A_421 : vector<16x1xi32> to vector<16xi32>
      %parallel_loop3A_423 = tpu.dynamic_gather %get3A_74[%parallel_loop3A_422] in [0] : vector<16xf32>, vector<16xi32> -> vector<16xf32>
      %parallel_loop3A_424 = arith.constant 0 : i32
      %parallel_loop3A_425 = tpu.memref_bitcast %arg6 : memref<4x200x128xi32, #tpu.memory_space<vmem>> -> memref<4x200x128xf32, #tpu.memory_space<vmem>>
      %parallel_loop3A_426 = arith.index_cast %parallel_loop3A_424 : i32 to index
      %parallel_loop3A_427 = arith.index_cast %parallel_loop3A_317 : i32 to index
      %parallel_loop3A_428 = arith.constant 112 : index
      %parallel_loop3A_429 = tpu.vector_load %parallel_loop3A_425[%parallel_loop3A_426, %parallel_loop3A_427, %parallel_loop3A_428] {strides = array<i32>} : memref<4x200x128xf32, #tpu.memory_space<vmem>>, vector<16xf32>,
      tpu.vector_store %parallel_loop3A_425[%parallel_loop3A_426, %parallel_loop3A_427, %parallel_loop3A_428], %parallel_loop3A_423 {strides = array<i32>} : memref<4x200x128xf32, #tpu.memory_space<vmem>>, vector<16xf32>,
    } {sc.loop_unroll_factor = 2 : i64, sc.parallel_access}
    %add3A_94 = arith.constant 0 : i32
    %add3A_95 = arith.addi %mul3A_2, %add3A_94 : i32
    %dma_start3A_96 = arith.constant 0 : i32
    %dma_start3A_97 = arith.constant 0 : i32
    %dma_start3A_98 = tpu.memref_bitcast %arg6 : memref<4x200x128xi32, #tpu.memory_space<vmem>> -> memref<4x200x128xf32, #tpu.memory_space<vmem>>
    %dma_start3A_99 = arith.constant 0 : i32
    %dma_start3A_100 = arith.constant 0 : i32
    %dma_start3A_101 = tpu.memref_slice %dma_start3A_98[%dma_start3A_96, %dma_start3A_99, %dma_start3A_100] : memref<4x200x128xf32, #tpu.memory_space<vmem>> -> memref<1x200x128xf32, #tpu.memory_space<vmem>>
    %dma_start3A_102 = tpu.memref_squeeze %dma_start3A_101 : memref<1x200x128xf32, #tpu.memory_space<vmem>> -> memref<200x128xf32, #tpu.memory_space<vmem>>
    %dma_start3A_103 = arith.constant 0 : i32
    %dma_start3A_104 = tpu.memref_slice %arg4[%dma_start3A_103, %add3A_95] : memref<200x16384xf32, #tpu.memory_space<hbm>> -> memref<200x128xf32, #tpu.memory_space<hbm>>
    %dma_start3A_105 = tpu.memref_slice %arg9[%dma_start3A_97] : memref<4x!tpu.dma_semaphore, #tpu.memory_space<semaphore_mem>> -> memref<1x!tpu.dma_semaphore, #tpu.memory_space<semaphore_mem>>
    %dma_start3A_106 = tpu.memref_squeeze %dma_start3A_105 : memref<1x!tpu.dma_semaphore, #tpu.memory_space<semaphore_mem>> -> memref<!tpu.dma_semaphore, #tpu.memory_space<semaphore_mem>>
    %dma_start3A_107 = arith.constant 0 : i32
    %dma_start3A_108 = tpu.memref_slice %arg4[%dma_start3A_107, %add3A_95] : memref<200x16384xf32, #tpu.memory_space<hbm>> -> memref<200x128xf32, #tpu.memory_space<hbm>>
    %dma_start3A_109 = tpu.memref_bitcast %arg6 : memref<4x200x128xi32, #tpu.memory_space<vmem>> -> memref<4x200x128xf32, #tpu.memory_space<vmem>>
    %dma_start3A_110 = arith.constant 0 : i32
    %dma_start3A_111 = arith.constant 0 : i32
    %dma_start3A_112 = tpu.memref_slice %dma_start3A_109[%dma_start3A_96, %dma_start3A_110, %dma_start3A_111] : memref<4x200x128xf32, #tpu.memory_space<vmem>> -> memref<1x200x128xf32, #tpu.memory_space<vmem>>
    %dma_start3A_113 = tpu.memref_squeeze %dma_start3A_112 : memref<1x200x128xf32, #tpu.memory_space<vmem>> -> memref<200x128xf32, #tpu.memory_space<vmem>>
    tpu.enqueue_dma source(%dma_start3A_113 : memref<200x128xf32, #tpu.memory_space<vmem>>) target(%dma_start3A_108 : memref<200x128xf32, #tpu.memory_space<hbm>>) target_semaphore(%dma_start3A_106 : memref<!tpu.dma_semaphore, #tpu.memory_space<semaphore_mem>>)
    %add3A_114 = arith.constant 128 : i32
    %add3A_115 = arith.addi %mul3A_2, %add3A_114 : i32
    %dma_wait3A_116 = arith.constant 1 : i32
    %dma_wait3A_117 = arith.constant 1 : i32
    %dma_wait3A_118 = arith.constant 0 : i32
    %dma_wait3A_119 = arith.constant 0 : i32
    %dma_wait3A_120 = tpu.memref_slice %arg6[%dma_wait3A_116, %dma_wait3A_118, %dma_wait3A_119] : memref<4x200x128xi32, #tpu.memory_space<vmem>> -> memref<1x200x128xi32, #tpu.memory_space<vmem>>
    %dma_wait3A_121 = tpu.memref_squeeze %dma_wait3A_120 : memref<1x200x128xi32, #tpu.memory_space<vmem>> -> memref<200x128xi32, #tpu.memory_space<vmem>>
    %dma_wait3A_122 = arith.constant 0 : i32
    %dma_wait3A_123 = tpu.memref_slice %arg2[%dma_wait3A_122, %add3A_115] : memref<200x16384xi32, #tpu.memory_space<hbm>> -> memref<200x128xi32, #tpu.memory_space<hbm>>
    %dma_wait3A_124 = tpu.memref_slice %arg8[%dma_wait3A_117] : memref<4x!tpu.dma_semaphore, #tpu.memory_space<semaphore_mem>> -> memref<1x!tpu.dma_semaphore, #tpu.memory_space<semaphore_mem>>
    %dma_wait3A_125 = tpu.memref_squeeze %dma_wait3A_124 : memref<1x!tpu.dma_semaphore, #tpu.memory_space<semaphore_mem>> -> memref<!tpu.dma_semaphore, #tpu.memory_space<semaphore_mem>>
    %dma_wait3A_126 = arith.constant 0 : i32
    %dma_wait3A_127 = arith.constant 0 : i32
    %dma_wait3A_128 = tpu.memref_slice %arg6[%dma_wait3A_116, %dma_wait3A_126, %dma_wait3A_127] : memref<4x200x128xi32, #tpu.memory_space<vmem>> -> memref<1x200x128xi32, #tpu.memory_space<vmem>>
    %dma_wait3A_129 = tpu.memref_squeeze %dma_wait3A_128 : memref<1x200x128xi32, #tpu.memory_space<vmem>> -> memref<200x128xi32, #tpu.memory_space<vmem>>
    %dma_wait3A_130 = arith.constant 0 : i32
    %dma_wait3A_131 = tpu.memref_slice %arg2[%dma_wait3A_130, %add3A_115] : memref<200x16384xi32, #tpu.memory_space<hbm>> -> memref<200x128xi32, #tpu.memory_space<hbm>>
    tpu.wait_dma2 semaphore(%dma_wait3A_125 : memref<!tpu.dma_semaphore, #tpu.memory_space<semaphore_mem>>) src(%dma_wait3A_131 : memref<200x128xi32, #tpu.memory_space<hbm>>) dst(%dma_wait3A_129 : memref<200x128xi32, #tpu.memory_space<vmem>>)
    %parallel_loop3A_132 = arith.constant 0 : i32
    %parallel_loop3A_133 = arith.constant 200 : i32
    %parallel_loop3A_134 = arith.constant 1 : i32
    scf.for %parallel_loop3A_317 = %parallel_loop3A_132 to %parallel_loop3A_133 step %parallel_loop3A_134  : i32 {
      %parallel_loop3A_318 = arith.constant 1 : i32
      %parallel_loop3A_319 = arith.index_cast %parallel_loop3A_318 : i32 to index
      %parallel_loop3A_320 = arith.index_cast %parallel_loop3A_317 : i32 to index
      %parallel_loop3A_321 = arith.constant 0 : index
      %parallel_loop3A_322 = tpu.vector_load %arg6[%parallel_loop3A_319, %parallel_loop3A_320, %parallel_loop3A_321] {strides = array<i32>} : memref<4x200x128xi32, #tpu.memory_space<vmem>>, vector<16xi32>,
      %parallel_loop3A_323 = vector.shape_cast %parallel_loop3A_322 : vector<16xi32> to vector<16x1xi32>
      %parallel_loop3A_324 = vector.shape_cast %parallel_loop3A_323 : vector<16x1xi32> to vector<16xi32>
      %parallel_loop3A_325 = tpu.dynamic_gather %get3A_74[%parallel_loop3A_324] in [0] : vector<16xf32>, vector<16xi32> -> vector<16xf32>
      %parallel_loop3A_326 = arith.constant 1 : i32
      %parallel_loop3A_327 = tpu.memref_bitcast %arg6 : memref<4x200x128xi32, #tpu.memory_space<vmem>> -> memref<4x200x128xf32, #tpu.memory_space<vmem>>
      %parallel_loop3A_328 = arith.index_cast %parallel_loop3A_326 : i32 to index
      %parallel_loop3A_329 = arith.index_cast %parallel_loop3A_317 : i32 to index
      %parallel_loop3A_330 = arith.constant 0 : index
      %parallel_loop3A_331 = tpu.vector_load %parallel_loop3A_327[%parallel_loop3A_328, %parallel_loop3A_329, %parallel_loop3A_330] {strides = array<i32>} : memref<4x200x128xf32, #tpu.memory_space<vmem>>, vector<16xf32>,
      tpu.vector_store %parallel_loop3A_327[%parallel_loop3A_328, %parallel_loop3A_329, %parallel_loop3A_330], %parallel_loop3A_325 {strides = array<i32>} : memref<4x200x128xf32, #tpu.memory_space<vmem>>, vector<16xf32>,
      %parallel_loop3A_332 = arith.constant 1 : i32
      %parallel_loop3A_333 = arith.index_cast %parallel_loop3A_332 : i32 to index
      %parallel_loop3A_334 = arith.index_cast %parallel_loop3A_317 : i32 to index
      %parallel_loop3A_335 = arith.constant 16 : index
      %parallel_loop3A_336 = tpu.vector_load %arg6[%parallel_loop3A_333, %parallel_loop3A_334, %parallel_loop3A_335] {strides = array<i32>} : memref<4x200x128xi32, #tpu.memory_space<vmem>>, vector<16xi32>,
      %parallel_loop3A_337 = vector.shape_cast %parallel_loop3A_336 : vector<16xi32> to vector<16x1xi32>
      %parallel_loop3A_338 = vector.shape_cast %parallel_loop3A_337 : vector<16x1xi32> to vector<16xi32>
      %parallel_loop3A_339 = tpu.dynamic_gather %get3A_74[%parallel_loop3A_338] in [0] : vector<16xf32>, vector<16xi32> -> vector<16xf32>
      %parallel_loop3A_340 = arith.constant 1 : i32
      %parallel_loop3A_341 = tpu.memref_bitcast %arg6 : memref<4x200x128xi32, #tpu.memory_space<vmem>> -> memref<4x200x128xf32, #tpu.memory_space<vmem>>
      %parallel_loop3A_342 = arith.index_cast %parallel_loop3A_340 : i32 to index
      %parallel_loop3A_343 = arith.index_cast %parallel_loop3A_317 : i32 to index
      %parallel_loop3A_344 = arith.constant 16 : index
      %parallel_loop3A_345 = tpu.vector_load %parallel_loop3A_341[%parallel_loop3A_342, %parallel_loop3A_343, %parallel_loop3A_344] {strides = array<i32>} : memref<4x200x128xf32, #tpu.memory_space<vmem>>, vector<16xf32>,
      tpu.vector_store %parallel_loop3A_341[%parallel_loop3A_342, %parallel_loop3A_343, %parallel_loop3A_344], %parallel_loop3A_339 {strides = array<i32>} : memref<4x200x128xf32, #tpu.memory_space<vmem>>, vector<16xf32>,
      %parallel_loop3A_346 = arith.constant 1 : i32
      %parallel_loop3A_347 = arith.index_cast %parallel_loop3A_346 : i32 to index
      %parallel_loop3A_348 = arith.index_cast %parallel_loop3A_317 : i32 to index
      %parallel_loop3A_349 = arith.constant 32 : index
      %parallel_loop3A_350 = tpu.vector_load %arg6[%parallel_loop3A_347, %parallel_loop3A_348, %parallel_loop3A_349] {strides = array<i32>} : memref<4x200x128xi32, #tpu.memory_space<vmem>>, vector<16xi32>,
      %parallel_loop3A_351 = vector.shape_cast %parallel_loop3A_350 : vector<16xi32> to vector<16x1xi32>
      %parallel_loop3A_352 = vector.shape_cast %parallel_loop3A_351 : vector<16x1xi32> to vector<16xi32>
      %parallel_loop3A_353 = tpu.dynamic_gather %get3A_74[%parallel_loop3A_352] in [0] : vector<16xf32>, vector<16xi32> -> vector<16xf32>
      %parallel_loop3A_354 = arith.constant 1 : i32
      %parallel_loop3A_355 = tpu.memref_bitcast %arg6 : memref<4x200x128xi32, #tpu.memory_space<vmem>> -> memref<4x200x128xf32, #tpu.memory_space<vmem>>
      %parallel_loop3A_356 = arith.index_cast %parallel_loop3A_354 : i32 to index
      %parallel_loop3A_357 = arith.index_cast %parallel_loop3A_317 : i32 to index
      %parallel_loop3A_358 = arith.constant 32 : index
      %parallel_loop3A_359 = tpu.vector_load %parallel_loop3A_355[%parallel_loop3A_356, %parallel_loop3A_357, %parallel_loop3A_358] {strides = array<i32>} : memref<4x200x128xf32, #tpu.memory_space<vmem>>, vector<16xf32>,
      tpu.vector_store %parallel_loop3A_355[%parallel_loop3A_356, %parallel_loop3A_357, %parallel_loop3A_358], %parallel_loop3A_353 {strides = array<i32>} : memref<4x200x128xf32, #tpu.memory_space<vmem>>, vector<16xf32>,
      %parallel_loop3A_360 = arith.constant 1 : i32
      %parallel_loop3A_361 = arith.index_cast %parallel_loop3A_360 : i32 to index
      %parallel_loop3A_362 = arith.index_cast %parallel_loop3A_317 : i32 to index
      %parallel_loop3A_363 = arith.constant 48 : index
      %parallel_loop3A_364 = tpu.vector_load %arg6[%parallel_loop3A_361, %parallel_loop3A_362, %parallel_loop3A_363] {strides = array<i32>} : memref<4x200x128xi32, #tpu.memory_space<vmem>>, vector<16xi32>,
      %parallel_loop3A_365 = vector.shape_cast %parallel_loop3A_364 : vector<16xi32> to vector<16x1xi32>
      %parallel_loop3A_366 = vector.shape_cast %parallel_loop3A_365 : vector<16x1xi32> to vector<16xi32>
      %parallel_loop3A_367 = tpu.dynamic_gather %get3A_74[%parallel_loop3A_366] in [0] : vector<16xf32>, vector<16xi32> -> vector<16xf32>
      %parallel_loop3A_368 = arith.constant 1 : i32
      %parallel_loop3A_369 = tpu.memref_bitcast %arg6 : memref<4x200x128xi32, #tpu.memory_space<vmem>> -> memref<4x200x128xf32, #tpu.memory_space<vmem>>
      %parallel_loop3A_370 = arith.index_cast %parallel_loop3A_368 : i32 to index
      %parallel_loop3A_371 = arith.index_cast %parallel_loop3A_317 : i32 to index
      %parallel_loop3A_372 = arith.constant 48 : index
      %parallel_loop3A_373 = tpu.vector_load %parallel_loop3A_369[%parallel_loop3A_370, %parallel_loop3A_371, %parallel_loop3A_372] {strides = array<i32>} : memref<4x200x128xf32, #tpu.memory_space<vmem>>, vector<16xf32>,
      tpu.vector_store %parallel_loop3A_369[%parallel_loop3A_370, %parallel_loop3A_371, %parallel_loop3A_372], %parallel_loop3A_367 {strides = array<i32>} : memref<4x200x128xf32, #tpu.memory_space<vmem>>, vector<16xf32>,
      %parallel_loop3A_374 = arith.constant 1 : i32
      %parallel_loop3A_375 = arith.index_cast %parallel_loop3A_374 : i32 to index
      %parallel_loop3A_376 = arith.index_cast %parallel_loop3A_317 : i32 to index
      %parallel_loop3A_377 = arith.constant 64 : index
      %parallel_loop3A_378 = tpu.vector_load %arg6[%parallel_loop3A_375, %parallel_loop3A_376, %parallel_loop3A_377] {strides = array<i32>} : memref<4x200x128xi32, #tpu.memory_space<vmem>>, vector<16xi32>,
      %parallel_loop3A_379 = vector.shape_cast %parallel_loop3A_378 : vector<16xi32> to vector<16x1xi32>
      %parallel_loop3A_380 = vector.shape_cast %parallel_loop3A_379 : vector<16x1xi32> to vector<16xi32>
      %parallel_loop3A_381 = tpu.dynamic_gather %get3A_74[%parallel_loop3A_380] in [0] : vector<16xf32>, vector<16xi32> -> vector<16xf32>
      %parallel_loop3A_382 = arith.constant 1 : i32
      %parallel_loop3A_383 = tpu.memref_bitcast %arg6 : memref<4x200x128xi32, #tpu.memory_space<vmem>> -> memref<4x200x128xf32, #tpu.memory_space<vmem>>
      %parallel_loop3A_384 = arith.index_cast %parallel_loop3A_382 : i32 to index
      %parallel_loop3A_385 = arith.index_cast %parallel_loop3A_317 : i32 to index
      %parallel_loop3A_386 = arith.constant 64 : index
      %parallel_loop3A_387 = tpu.vector_load %parallel_loop3A_383[%parallel_loop3A_384, %parallel_loop3A_385, %parallel_loop3A_386] {strides = array<i32>} : memref<4x200x128xf32, #tpu.memory_space<vmem>>, vector<16xf32>,
      tpu.vector_store %parallel_loop3A_383[%parallel_loop3A_384, %parallel_loop3A_385, %parallel_loop3A_386], %parallel_loop3A_381 {strides = array<i32>} : memref<4x200x128xf32, #tpu.memory_space<vmem>>, vector<16xf32>,
      %parallel_loop3A_388 = arith.constant 1 : i32
      %parallel_loop3A_389 = arith.index_cast %parallel_loop3A_388 : i32 to index
      %parallel_loop3A_390 = arith.index_cast %parallel_loop3A_317 : i32 to index
      %parallel_loop3A_391 = arith.constant 80 : index
      %parallel_loop3A_392 = tpu.vector_load %arg6[%parallel_loop3A_389, %parallel_loop3A_390, %parallel_loop3A_391] {strides = array<i32>} : memref<4x200x128xi32, #tpu.memory_space<vmem>>, vector<16xi32>,
      %parallel_loop3A_393 = vector.shape_cast %parallel_loop3A_392 : vector<16xi32> to vector<16x1xi32>
      %parallel_loop3A_394 = vector.shape_cast %parallel_loop3A_393 : vector<16x1xi32> to vector<16xi32>
      %parallel_loop3A_395 = tpu.dynamic_gather %get3A_74[%parallel_loop3A_394] in [0] : vector<16xf32>, vector<16xi32> -> vector<16xf32>
      %parallel_loop3A_396 = arith.constant 1 : i32
      %parallel_loop3A_397 = tpu.memref_bitcast %arg6 : memref<4x200x128xi32, #tpu.memory_space<vmem>> -> memref<4x200x128xf32, #tpu.memory_space<vmem>>
      %parallel_loop3A_398 = arith.index_cast %parallel_loop3A_396 : i32 to index
      %parallel_loop3A_399 = arith.index_cast %parallel_loop3A_317 : i32 to index
      %parallel_loop3A_400 = arith.constant 80 : index
      %parallel_loop3A_401 = tpu.vector_load %parallel_loop3A_397[%parallel_loop3A_398, %parallel_loop3A_399, %parallel_loop3A_400] {strides = array<i32>} : memref<4x200x128xf32, #tpu.memory_space<vmem>>, vector<16xf32>,
      tpu.vector_store %parallel_loop3A_397[%parallel_loop3A_398, %parallel_loop3A_399, %parallel_loop3A_400], %parallel_loop3A_395 {strides = array<i32>} : memref<4x200x128xf32, #tpu.memory_space<vmem>>, vector<16xf32>,
      %parallel_loop3A_402 = arith.constant 1 : i32
      %parallel_loop3A_403 = arith.index_cast %parallel_loop3A_402 : i32 to index
      %parallel_loop3A_404 = arith.index_cast %parallel_loop3A_317 : i32 to index
      %parallel_loop3A_405 = arith.constant 96 : index
      %parallel_loop3A_406 = tpu.vector_load %arg6[%parallel_loop3A_403, %parallel_loop3A_404, %parallel_loop3A_405] {strides = array<i32>} : memref<4x200x128xi32, #tpu.memory_space<vmem>>, vector<16xi32>,
      %parallel_loop3A_407 = vector.shape_cast %parallel_loop3A_406 : vector<16xi32> to vector<16x1xi32>
      %parallel_loop3A_408 = vector.shape_cast %parallel_loop3A_407 : vector<16x1xi32> to vector<16xi32>
      %parallel_loop3A_409 = tpu.dynamic_gather %get3A_74[%parallel_loop3A_408] in [0] : vector<16xf32>, vector<16xi32> -> vector<16xf32>
      %parallel_loop3A_410 = arith.constant 1 : i32
      %parallel_loop3A_411 = tpu.memref_bitcast %arg6 : memref<4x200x128xi32, #tpu.memory_space<vmem>> -> memref<4x200x128xf32, #tpu.memory_space<vmem>>
      %parallel_loop3A_412 = arith.index_cast %parallel_loop3A_410 : i32 to index
      %parallel_loop3A_413 = arith.index_cast %parallel_loop3A_317 : i32 to index
      %parallel_loop3A_414 = arith.constant 96 : index
      %parallel_loop3A_415 = tpu.vector_load %parallel_loop3A_411[%parallel_loop3A_412, %parallel_loop3A_413, %parallel_loop3A_414] {strides = array<i32>} : memref<4x200x128xf32, #tpu.memory_space<vmem>>, vector<16xf32>,
      tpu.vector_store %parallel_loop3A_411[%parallel_loop3A_412, %parallel_loop3A_413, %parallel_loop3A_414], %parallel_loop3A_409 {strides = array<i32>} : memref<4x200x128xf32, #tpu.memory_space<vmem>>, vector<16xf32>,
      %parallel_loop3A_416 = arith.constant 1 : i32
      %parallel_loop3A_417 = arith.index_cast %parallel_loop3A_416 : i32 to index
      %parallel_loop3A_418 = arith.index_cast %parallel_loop3A_317 : i32 to index
      %parallel_loop3A_419 = arith.constant 112 : index
      %parallel_loop3A_420 = tpu.vector_load %arg6[%parallel_loop3A_417, %parallel_loop3A_418, %parallel_loop3A_419] {strides = array<i32>} : memref<4x200x128xi32, #tpu.memory_space<vmem>>, vector<16xi32>,
      %parallel_loop3A_421 = vector.shape_cast %parallel_loop3A_420 : vector<16xi32> to vector<16x1xi32>
      %parallel_loop3A_422 = vector.shape_cast %parallel_loop3A_421 : vector<16x1xi32> to vector<16xi32>
      %parallel_loop3A_423 = tpu.dynamic_gather %get3A_74[%parallel_loop3A_422] in [0] : vector<16xf32>, vector<16xi32> -> vector<16xf32>
      %parallel_loop3A_424 = arith.constant 1 : i32
      %parallel_loop3A_425 = tpu.memref_bitcast %arg6 : memref<4x200x128xi32, #tpu.memory_space<vmem>> -> memref<4x200x128xf32, #tpu.memory_space<vmem>>
      %parallel_loop3A_426 = arith.index_cast %parallel_loop3A_424 : i32 to index
      %parallel_loop3A_427 = arith.index_cast %parallel_loop3A_317 : i32 to index
      %parallel_loop3A_428 = arith.constant 112 : index
      %parallel_loop3A_429 = tpu.vector_load %parallel_loop3A_425[%parallel_loop3A_426, %parallel_loop3A_427, %parallel_loop3A_428] {strides = array<i32>} : memref<4x200x128xf32, #tpu.memory_space<vmem>>, vector<16xf32>,
      tpu.vector_store %parallel_loop3A_425[%parallel_loop3A_426, %parallel_loop3A_427, %parallel_loop3A_428], %parallel_loop3A_423 {strides = array<i32>} : memref<4x200x128xf32, #tpu.memory_space<vmem>>, vector<16xf32>,
    } {sc.loop_unroll_factor = 2 : i64, sc.parallel_access}
    %add3A_135 = arith.constant 128 : i32
    %add3A_136 = arith.addi %mul3A_2, %add3A_135 : i32
    %dma_start3A_137 = arith.constant 1 : i32
    %dma_start3A_138 = arith.constant 1 : i32
    %dma_start3A_139 = tpu.memref_bitcast %arg6 : memref<4x200x128xi32, #tpu.memory_space<vmem>> -> memref<4x200x128xf32, #tpu.memory_space<vmem>>
    %dma_start3A_140 = arith.constant 0 : i32
    %dma_start3A_141 = arith.constant 0 : i32
    %dma_start3A_142 = tpu.memref_slice %dma_start3A_139[%dma_start3A_137, %dma_start3A_140, %dma_start3A_141] : memref<4x200x128xf32, #tpu.memory_space<vmem>> -> memref<1x200x128xf32, #tpu.memory_space<vmem>>
    %dma_start3A_143 = tpu.memref_squeeze %dma_start3A_142 : memref<1x200x128xf32, #tpu.memory_space<vmem>> -> memref<200x128xf32, #tpu.memory_space<vmem>>
    %dma_start3A_144 = arith.constant 0 : i32
    %dma_start3A_145 = tpu.memref_slice %arg4[%dma_start3A_144, %add3A_136] : memref<200x16384xf32, #tpu.memory_space<hbm>> -> memref<200x128xf32, #tpu.memory_space<hbm>>
    %dma_start3A_146 = tpu.memref_slice %arg9[%dma_start3A_138] : memref<4x!tpu.dma_semaphore, #tpu.memory_space<semaphore_mem>> -> memref<1x!tpu.dma_semaphore, #tpu.memory_space<semaphore_mem>>
    %dma_start3A_147 = tpu.memref_squeeze %dma_start3A_146 : memref<1x!tpu.dma_semaphore, #tpu.memory_space<semaphore_mem>> -> memref<!tpu.dma_semaphore, #tpu.memory_space<semaphore_mem>>
    %dma_start3A_148 = arith.constant 0 : i32
    %dma_start3A_149 = tpu.memref_slice %arg4[%dma_start3A_148, %add3A_136] : memref<200x16384xf32, #tpu.memory_space<hbm>> -> memref<200x128xf32, #tpu.memory_space<hbm>>
    %dma_start3A_150 = tpu.memref_bitcast %arg6 : memref<4x200x128xi32, #tpu.memory_space<vmem>> -> memref<4x200x128xf32, #tpu.memory_space<vmem>>
    %dma_start3A_151 = arith.constant 0 : i32
    %dma_start3A_152 = arith.constant 0 : i32
    %dma_start3A_153 = tpu.memref_slice %dma_start3A_150[%dma_start3A_137, %dma_start3A_151, %dma_start3A_152] : memref<4x200x128xf32, #tpu.memory_space<vmem>> -> memref<1x200x128xf32, #tpu.memory_space<vmem>>
    %dma_start3A_154 = tpu.memref_squeeze %dma_start3A_153 : memref<1x200x128xf32, #tpu.memory_space<vmem>> -> memref<200x128xf32, #tpu.memory_space<vmem>>
    tpu.enqueue_dma source(%dma_start3A_154 : memref<200x128xf32, #tpu.memory_space<vmem>>) target(%dma_start3A_149 : memref<200x128xf32, #tpu.memory_space<hbm>>) target_semaphore(%dma_start3A_147 : memref<!tpu.dma_semaphore, #tpu.memory_space<semaphore_mem>>)
    %add3A_155 = arith.constant 256 : i32
    %add3A_156 = arith.addi %mul3A_2, %add3A_155 : i32
    %dma_wait3A_157 = arith.constant 2 : i32
    %dma_wait3A_158 = arith.constant 2 : i32
    %dma_wait3A_159 = arith.constant 0 : i32
    %dma_wait3A_160 = arith.constant 0 : i32
    %dma_wait3A_161 = tpu.memref_slice %arg6[%dma_wait3A_157, %dma_wait3A_159, %dma_wait3A_160] : memref<4x200x128xi32, #tpu.memory_space<vmem>> -> memref<1x200x128xi32, #tpu.memory_space<vmem>>
    %dma_wait3A_162 = tpu.memref_squeeze %dma_wait3A_161 : memref<1x200x128xi32, #tpu.memory_space<vmem>> -> memref<200x128xi32, #tpu.memory_space<vmem>>
    %dma_wait3A_163 = arith.constant 0 : i32
    %dma_wait3A_164 = tpu.memref_slice %arg2[%dma_wait3A_163, %add3A_156] : memref<200x16384xi32, #tpu.memory_space<hbm>> -> memref<200x128xi32, #tpu.memory_space<hbm>>
    %dma_wait3A_165 = tpu.memref_slice %arg8[%dma_wait3A_158] : memref<4x!tpu.dma_semaphore, #tpu.memory_space<semaphore_mem>> -> memref<1x!tpu.dma_semaphore, #tpu.memory_space<semaphore_mem>>
    %dma_wait3A_166 = tpu.memref_squeeze %dma_wait3A_165 : memref<1x!tpu.dma_semaphore, #tpu.memory_space<semaphore_mem>> -> memref<!tpu.dma_semaphore, #tpu.memory_space<semaphore_mem>>
    %dma_wait3A_167 = arith.constant 0 : i32
    %dma_wait3A_168 = arith.constant 0 : i32
    %dma_wait3A_169 = tpu.memref_slice %arg6[%dma_wait3A_157, %dma_wait3A_167, %dma_wait3A_168] : memref<4x200x128xi32, #tpu.memory_space<vmem>> -> memref<1x200x128xi32, #tpu.memory_space<vmem>>
    %dma_wait3A_170 = tpu.memref_squeeze %dma_wait3A_169 : memref<1x200x128xi32, #tpu.memory_space<vmem>> -> memref<200x128xi32, #tpu.memory_space<vmem>>
    %dma_wait3A_171 = arith.constant 0 : i32
    %dma_wait3A_172 = tpu.memref_slice %arg2[%dma_wait3A_171, %add3A_156] : memref<200x16384xi32, #tpu.memory_space<hbm>> -> memref<200x128xi32, #tpu.memory_space<hbm>>
    tpu.wait_dma2 semaphore(%dma_wait3A_166 : memref<!tpu.dma_semaphore, #tpu.memory_space<semaphore_mem>>) src(%dma_wait3A_172 : memref<200x128xi32, #tpu.memory_space<hbm>>) dst(%dma_wait3A_170 : memref<200x128xi32, #tpu.memory_space<vmem>>)
    %parallel_loop3A_173 = arith.constant 0 : i32
    %parallel_loop3A_174 = arith.constant 200 : i32
    %parallel_loop3A_175 = arith.constant 1 : i32
    scf.for %parallel_loop3A_317 = %parallel_loop3A_173 to %parallel_loop3A_174 step %parallel_loop3A_175  : i32 {
      %parallel_loop3A_318 = arith.constant 2 : i32
      %parallel_loop3A_319 = arith.index_cast %parallel_loop3A_318 : i32 to index
      %parallel_loop3A_320 = arith.index_cast %parallel_loop3A_317 : i32 to index
      %parallel_loop3A_321 = arith.constant 0 : index
      %parallel_loop3A_322 = tpu.vector_load %arg6[%parallel_loop3A_319, %parallel_loop3A_320, %parallel_loop3A_321] {strides = array<i32>} : memref<4x200x128xi32, #tpu.memory_space<vmem>>, vector<16xi32>,
      %parallel_loop3A_323 = vector.shape_cast %parallel_loop3A_322 : vector<16xi32> to vector<16x1xi32>
      %parallel_loop3A_324 = vector.shape_cast %parallel_loop3A_323 : vector<16x1xi32> to vector<16xi32>
      %parallel_loop3A_325 = tpu.dynamic_gather %get3A_74[%parallel_loop3A_324] in [0] : vector<16xf32>, vector<16xi32> -> vector<16xf32>
      %parallel_loop3A_326 = arith.constant 2 : i32
      %parallel_loop3A_327 = tpu.memref_bitcast %arg6 : memref<4x200x128xi32, #tpu.memory_space<vmem>> -> memref<4x200x128xf32, #tpu.memory_space<vmem>>
      %parallel_loop3A_328 = arith.index_cast %parallel_loop3A_326 : i32 to index
      %parallel_loop3A_329 = arith.index_cast %parallel_loop3A_317 : i32 to index
      %parallel_loop3A_330 = arith.constant 0 : index
      %parallel_loop3A_331 = tpu.vector_load %parallel_loop3A_327[%parallel_loop3A_328, %parallel_loop3A_329, %parallel_loop3A_330] {strides = array<i32>} : memref<4x200x128xf32, #tpu.memory_space<vmem>>, vector<16xf32>,
      tpu.vector_store %parallel_loop3A_327[%parallel_loop3A_328, %parallel_loop3A_329, %parallel_loop3A_330], %parallel_loop3A_325 {strides = array<i32>} : memref<4x200x128xf32, #tpu.memory_space<vmem>>, vector<16xf32>,
      %parallel_loop3A_332 = arith.constant 2 : i32
      %parallel_loop3A_333 = arith.index_cast %parallel_loop3A_332 : i32 to index
      %parallel_loop3A_334 = arith.index_cast %parallel_loop3A_317 : i32 to index
      %parallel_loop3A_335 = arith.constant 16 : index
      %parallel_loop3A_336 = tpu.vector_load %arg6[%parallel_loop3A_333, %parallel_loop3A_334, %parallel_loop3A_335] {strides = array<i32>} : memref<4x200x128xi32, #tpu.memory_space<vmem>>, vector<16xi32>,
      %parallel_loop3A_337 = vector.shape_cast %parallel_loop3A_336 : vector<16xi32> to vector<16x1xi32>
      %parallel_loop3A_338 = vector.shape_cast %parallel_loop3A_337 : vector<16x1xi32> to vector<16xi32>
      %parallel_loop3A_339 = tpu.dynamic_gather %get3A_74[%parallel_loop3A_338] in [0] : vector<16xf32>, vector<16xi32> -> vector<16xf32>
      %parallel_loop3A_340 = arith.constant 2 : i32
      %parallel_loop3A_341 = tpu.memref_bitcast %arg6 : memref<4x200x128xi32, #tpu.memory_space<vmem>> -> memref<4x200x128xf32, #tpu.memory_space<vmem>>
      %parallel_loop3A_342 = arith.index_cast %parallel_loop3A_340 : i32 to index
      %parallel_loop3A_343 = arith.index_cast %parallel_loop3A_317 : i32 to index
      %parallel_loop3A_344 = arith.constant 16 : index
      %parallel_loop3A_345 = tpu.vector_load %parallel_loop3A_341[%parallel_loop3A_342, %parallel_loop3A_343, %parallel_loop3A_344] {strides = array<i32>} : memref<4x200x128xf32, #tpu.memory_space<vmem>>, vector<16xf32>,
      tpu.vector_store %parallel_loop3A_341[%parallel_loop3A_342, %parallel_loop3A_343, %parallel_loop3A_344], %parallel_loop3A_339 {strides = array<i32>} : memref<4x200x128xf32, #tpu.memory_space<vmem>>, vector<16xf32>,
      %parallel_loop3A_346 = arith.constant 2 : i32
      %parallel_loop3A_347 = arith.index_cast %parallel_loop3A_346 : i32 to index
      %parallel_loop3A_348 = arith.index_cast %parallel_loop3A_317 : i32 to index
      %parallel_loop3A_349 = arith.constant 32 : index
      %parallel_loop3A_350 = tpu.vector_load %arg6[%parallel_loop3A_347, %parallel_loop3A_348, %parallel_loop3A_349] {strides = array<i32>} : memref<4x200x128xi32, #tpu.memory_space<vmem>>, vector<16xi32>,
      %parallel_loop3A_351 = vector.shape_cast %parallel_loop3A_350 : vector<16xi32> to vector<16x1xi32>
      %parallel_loop3A_352 = vector.shape_cast %parallel_loop3A_351 : vector<16x1xi32> to vector<16xi32>
      %parallel_loop3A_353 = tpu.dynamic_gather %get3A_74[%parallel_loop3A_352] in [0] : vector<16xf32>, vector<16xi32> -> vector<16xf32>
      %parallel_loop3A_354 = arith.constant 2 : i32
      %parallel_loop3A_355 = tpu.memref_bitcast %arg6 : memref<4x200x128xi32, #tpu.memory_space<vmem>> -> memref<4x200x128xf32, #tpu.memory_space<vmem>>
      %parallel_loop3A_356 = arith.index_cast %parallel_loop3A_354 : i32 to index
      %parallel_loop3A_357 = arith.index_cast %parallel_loop3A_317 : i32 to index
      %parallel_loop3A_358 = arith.constant 32 : index
      %parallel_loop3A_359 = tpu.vector_load %parallel_loop3A_355[%parallel_loop3A_356, %parallel_loop3A_357, %parallel_loop3A_358] {strides = array<i32>} : memref<4x200x128xf32, #tpu.memory_space<vmem>>, vector<16xf32>,
      tpu.vector_store %parallel_loop3A_355[%parallel_loop3A_356, %parallel_loop3A_357, %parallel_loop3A_358], %parallel_loop3A_353 {strides = array<i32>} : memref<4x200x128xf32, #tpu.memory_space<vmem>>, vector<16xf32>,
      %parallel_loop3A_360 = arith.constant 2 : i32
      %parallel_loop3A_361 = arith.index_cast %parallel_loop3A_360 : i32 to index
      %parallel_loop3A_362 = arith.index_cast %parallel_loop3A_317 : i32 to index
      %parallel_loop3A_363 = arith.constant 48 : index
      %parallel_loop3A_364 = tpu.vector_load %arg6[%parallel_loop3A_361, %parallel_loop3A_362, %parallel_loop3A_363] {strides = array<i32>} : memref<4x200x128xi32, #tpu.memory_space<vmem>>, vector<16xi32>,
      %parallel_loop3A_365 = vector.shape_cast %parallel_loop3A_364 : vector<16xi32> to vector<16x1xi32>
      %parallel_loop3A_366 = vector.shape_cast %parallel_loop3A_365 : vector<16x1xi32> to vector<16xi32>
      %parallel_loop3A_367 = tpu.dynamic_gather %get3A_74[%parallel_loop3A_366] in [0] : vector<16xf32>, vector<16xi32> -> vector<16xf32>
      %parallel_loop3A_368 = arith.constant 2 : i32
      %parallel_loop3A_369 = tpu.memref_bitcast %arg6 : memref<4x200x128xi32, #tpu.memory_space<vmem>> -> memref<4x200x128xf32, #tpu.memory_space<vmem>>
      %parallel_loop3A_370 = arith.index_cast %parallel_loop3A_368 : i32 to index
      %parallel_loop3A_371 = arith.index_cast %parallel_loop3A_317 : i32 to index
      %parallel_loop3A_372 = arith.constant 48 : index
      %parallel_loop3A_373 = tpu.vector_load %parallel_loop3A_369[%parallel_loop3A_370, %parallel_loop3A_371, %parallel_loop3A_372] {strides = array<i32>} : memref<4x200x128xf32, #tpu.memory_space<vmem>>, vector<16xf32>,
      tpu.vector_store %parallel_loop3A_369[%parallel_loop3A_370, %parallel_loop3A_371, %parallel_loop3A_372], %parallel_loop3A_367 {strides = array<i32>} : memref<4x200x128xf32, #tpu.memory_space<vmem>>, vector<16xf32>,
      %parallel_loop3A_374 = arith.constant 2 : i32
      %parallel_loop3A_375 = arith.index_cast %parallel_loop3A_374 : i32 to index
      %parallel_loop3A_376 = arith.index_cast %parallel_loop3A_317 : i32 to index
      %parallel_loop3A_377 = arith.constant 64 : index
      %parallel_loop3A_378 = tpu.vector_load %arg6[%parallel_loop3A_375, %parallel_loop3A_376, %parallel_loop3A_377] {strides = array<i32>} : memref<4x200x128xi32, #tpu.memory_space<vmem>>, vector<16xi32>,
      %parallel_loop3A_379 = vector.shape_cast %parallel_loop3A_378 : vector<16xi32> to vector<16x1xi32>
      %parallel_loop3A_380 = vector.shape_cast %parallel_loop3A_379 : vector<16x1xi32> to vector<16xi32>
      %parallel_loop3A_381 = tpu.dynamic_gather %get3A_74[%parallel_loop3A_380] in [0] : vector<16xf32>, vector<16xi32> -> vector<16xf32>
      %parallel_loop3A_382 = arith.constant 2 : i32
      %parallel_loop3A_383 = tpu.memref_bitcast %arg6 : memref<4x200x128xi32, #tpu.memory_space<vmem>> -> memref<4x200x128xf32, #tpu.memory_space<vmem>>
      %parallel_loop3A_384 = arith.index_cast %parallel_loop3A_382 : i32 to index
      %parallel_loop3A_385 = arith.index_cast %parallel_loop3A_317 : i32 to index
      %parallel_loop3A_386 = arith.constant 64 : index
      %parallel_loop3A_387 = tpu.vector_load %parallel_loop3A_383[%parallel_loop3A_384, %parallel_loop3A_385, %parallel_loop3A_386] {strides = array<i32>} : memref<4x200x128xf32, #tpu.memory_space<vmem>>, vector<16xf32>,
      tpu.vector_store %parallel_loop3A_383[%parallel_loop3A_384, %parallel_loop3A_385, %parallel_loop3A_386], %parallel_loop3A_381 {strides = array<i32>} : memref<4x200x128xf32, #tpu.memory_space<vmem>>, vector<16xf32>,
      %parallel_loop3A_388 = arith.constant 2 : i32
      %parallel_loop3A_389 = arith.index_cast %parallel_loop3A_388 : i32 to index
      %parallel_loop3A_390 = arith.index_cast %parallel_loop3A_317 : i32 to index
      %parallel_loop3A_391 = arith.constant 80 : index
      %parallel_loop3A_392 = tpu.vector_load %arg6[%parallel_loop3A_389, %parallel_loop3A_390, %parallel_loop3A_391] {strides = array<i32>} : memref<4x200x128xi32, #tpu.memory_space<vmem>>, vector<16xi32>,
      %parallel_loop3A_393 = vector.shape_cast %parallel_loop3A_392 : vector<16xi32> to vector<16x1xi32>
      %parallel_loop3A_394 = vector.shape_cast %parallel_loop3A_393 : vector<16x1xi32> to vector<16xi32>
      %parallel_loop3A_395 = tpu.dynamic_gather %get3A_74[%parallel_loop3A_394] in [0] : vector<16xf32>, vector<16xi32> -> vector<16xf32>
      %parallel_loop3A_396 = arith.constant 2 : i32
      %parallel_loop3A_397 = tpu.memref_bitcast %arg6 : memref<4x200x128xi32, #tpu.memory_space<vmem>> -> memref<4x200x128xf32, #tpu.memory_space<vmem>>
      %parallel_loop3A_398 = arith.index_cast %parallel_loop3A_396 : i32 to index
      %parallel_loop3A_399 = arith.index_cast %parallel_loop3A_317 : i32 to index
      %parallel_loop3A_400 = arith.constant 80 : index
      %parallel_loop3A_401 = tpu.vector_load %parallel_loop3A_397[%parallel_loop3A_398, %parallel_loop3A_399, %parallel_loop3A_400] {strides = array<i32>} : memref<4x200x128xf32, #tpu.memory_space<vmem>>, vector<16xf32>,
      tpu.vector_store %parallel_loop3A_397[%parallel_loop3A_398, %parallel_loop3A_399, %parallel_loop3A_400], %parallel_loop3A_395 {strides = array<i32>} : memref<4x200x128xf32, #tpu.memory_space<vmem>>, vector<16xf32>,
      %parallel_loop3A_402 = arith.constant 2 : i32
      %parallel_loop3A_403 = arith.index_cast %parallel_loop3A_402 : i32 to index
      %parallel_loop3A_404 = arith.index_cast %parallel_loop3A_317 : i32 to index
      %parallel_loop3A_405 = arith.constant 96 : index
      %parallel_loop3A_406 = tpu.vector_load %arg6[%parallel_loop3A_403, %parallel_loop3A_404, %parallel_loop3A_405] {strides = array<i32>} : memref<4x200x128xi32, #tpu.memory_space<vmem>>, vector<16xi32>,
      %parallel_loop3A_407 = vector.shape_cast %parallel_loop3A_406 : vector<16xi32> to vector<16x1xi32>
      %parallel_loop3A_408 = vector.shape_cast %parallel_loop3A_407 : vector<16x1xi32> to vector<16xi32>
      %parallel_loop3A_409 = tpu.dynamic_gather %get3A_74[%parallel_loop3A_408] in [0] : vector<16xf32>, vector<16xi32> -> vector<16xf32>
      %parallel_loop3A_410 = arith.constant 2 : i32
      %parallel_loop3A_411 = tpu.memref_bitcast %arg6 : memref<4x200x128xi32, #tpu.memory_space<vmem>> -> memref<4x200x128xf32, #tpu.memory_space<vmem>>
      %parallel_loop3A_412 = arith.index_cast %parallel_loop3A_410 : i32 to index
      %parallel_loop3A_413 = arith.index_cast %parallel_loop3A_317 : i32 to index
      %parallel_loop3A_414 = arith.constant 96 : index
      %parallel_loop3A_415 = tpu.vector_load %parallel_loop3A_411[%parallel_loop3A_412, %parallel_loop3A_413, %parallel_loop3A_414] {strides = array<i32>} : memref<4x200x128xf32, #tpu.memory_space<vmem>>, vector<16xf32>,
      tpu.vector_store %parallel_loop3A_411[%parallel_loop3A_412, %parallel_loop3A_413, %parallel_loop3A_414], %parallel_loop3A_409 {strides = array<i32>} : memref<4x200x128xf32, #tpu.memory_space<vmem>>, vector<16xf32>,
      %parallel_loop3A_416 = arith.constant 2 : i32
      %parallel_loop3A_417 = arith.index_cast %parallel_loop3A_416 : i32 to index
      %parallel_loop3A_418 = arith.index_cast %parallel_loop3A_317 : i32 to index
      %parallel_loop3A_419 = arith.constant 112 : index
      %parallel_loop3A_420 = tpu.vector_load %arg6[%parallel_loop3A_417, %parallel_loop3A_418, %parallel_loop3A_419] {strides = array<i32>} : memref<4x200x128xi32, #tpu.memory_space<vmem>>, vector<16xi32>,
      %parallel_loop3A_421 = vector.shape_cast %parallel_loop3A_420 : vector<16xi32> to vector<16x1xi32>
      %parallel_loop3A_422 = vector.shape_cast %parallel_loop3A_421 : vector<16x1xi32> to vector<16xi32>
      %parallel_loop3A_423 = tpu.dynamic_gather %get3A_74[%parallel_loop3A_422] in [0] : vector<16xf32>, vector<16xi32> -> vector<16xf32>
      %parallel_loop3A_424 = arith.constant 2 : i32
      %parallel_loop3A_425 = tpu.memref_bitcast %arg6 : memref<4x200x128xi32, #tpu.memory_space<vmem>> -> memref<4x200x128xf32, #tpu.memory_space<vmem>>
      %parallel_loop3A_426 = arith.index_cast %parallel_loop3A_424 : i32 to index
      %parallel_loop3A_427 = arith.index_cast %parallel_loop3A_317 : i32 to index
      %parallel_loop3A_428 = arith.constant 112 : index
      %parallel_loop3A_429 = tpu.vector_load %parallel_loop3A_425[%parallel_loop3A_426, %parallel_loop3A_427, %parallel_loop3A_428] {strides = array<i32>} : memref<4x200x128xf32, #tpu.memory_space<vmem>>, vector<16xf32>,
      tpu.vector_store %parallel_loop3A_425[%parallel_loop3A_426, %parallel_loop3A_427, %parallel_loop3A_428], %parallel_loop3A_423 {strides = array<i32>} : memref<4x200x128xf32, #tpu.memory_space<vmem>>, vector<16xf32>,
    } {sc.loop_unroll_factor = 2 : i64, sc.parallel_access}
    %add3A_176 = arith.constant 256 : i32
    %add3A_177 = arith.addi %mul3A_2, %add3A_176 : i32
    %dma_start3A_178 = arith.constant 2 : i32
    %dma_start3A_179 = arith.constant 2 : i32
    %dma_start3A_180 = tpu.memref_bitcast %arg6 : memref<4x200x128xi32, #tpu.memory_space<vmem>> -> memref<4x200x128xf32, #tpu.memory_space<vmem>>
    %dma_start3A_181 = arith.constant 0 : i32
    %dma_start3A_182 = arith.constant 0 : i32
    %dma_start3A_183 = tpu.memref_slice %dma_start3A_180[%dma_start3A_178, %dma_start3A_181, %dma_start3A_182] : memref<4x200x128xf32, #tpu.memory_space<vmem>> -> memref<1x200x128xf32, #tpu.memory_space<vmem>>
    %dma_start3A_184 = tpu.memref_squeeze %dma_start3A_183 : memref<1x200x128xf32, #tpu.memory_space<vmem>> -> memref<200x128xf32, #tpu.memory_space<vmem>>
    %dma_start3A_185 = arith.constant 0 : i32
    %dma_start3A_186 = tpu.memref_slice %arg4[%dma_start3A_185, %add3A_177] : memref<200x16384xf32, #tpu.memory_space<hbm>> -> memref<200x128xf32, #tpu.memory_space<hbm>>
    %dma_start3A_187 = tpu.memref_slice %arg9[%dma_start3A_179] : memref<4x!tpu.dma_semaphore, #tpu.memory_space<semaphore_mem>> -> memref<1x!tpu.dma_semaphore, #tpu.memory_space<semaphore_mem>>
    %dma_start3A_188 = tpu.memref_squeeze %dma_start3A_187 : memref<1x!tpu.dma_semaphore, #tpu.memory_space<semaphore_mem>> -> memref<!tpu.dma_semaphore, #tpu.memory_space<semaphore_mem>>
    %dma_start3A_189 = arith.constant 0 : i32
    %dma_start3A_190 = tpu.memref_slice %arg4[%dma_start3A_189, %add3A_177] : memref<200x16384xf32, #tpu.memory_space<hbm>> -> memref<200x128xf32, #tpu.memory_space<hbm>>
    %dma_start3A_191 = tpu.memref_bitcast %arg6 : memref<4x200x128xi32, #tpu.memory_space<vmem>> -> memref<4x200x128xf32, #tpu.memory_space<vmem>>
    %dma_start3A_192 = arith.constant 0 : i32
    %dma_start3A_193 = arith.constant 0 : i32
    %dma_start3A_194 = tpu.memref_slice %dma_start3A_191[%dma_start3A_178, %dma_start3A_192, %dma_start3A_193] : memref<4x200x128xf32, #tpu.memory_space<vmem>> -> memref<1x200x128xf32, #tpu.memory_space<vmem>>
    %dma_start3A_195 = tpu.memref_squeeze %dma_start3A_194 : memref<1x200x128xf32, #tpu.memory_space<vmem>> -> memref<200x128xf32, #tpu.memory_space<vmem>>
    tpu.enqueue_dma source(%dma_start3A_195 : memref<200x128xf32, #tpu.memory_space<vmem>>) target(%dma_start3A_190 : memref<200x128xf32, #tpu.memory_space<hbm>>) target_semaphore(%dma_start3A_188 : memref<!tpu.dma_semaphore, #tpu.memory_space<semaphore_mem>>)
    %add3A_196 = arith.constant 384 : i32
    %add3A_197 = arith.addi %mul3A_2, %add3A_196 : i32
    %dma_wait3A_198 = arith.constant 3 : i32
    %dma_wait3A_199 = arith.constant 3 : i32
    %dma_wait3A_200 = arith.constant 0 : i32
    %dma_wait3A_201 = arith.constant 0 : i32
    %dma_wait3A_202 = tpu.memref_slice %arg6[%dma_wait3A_198, %dma_wait3A_200, %dma_wait3A_201] : memref<4x200x128xi32, #tpu.memory_space<vmem>> -> memref<1x200x128xi32, #tpu.memory_space<vmem>>
    %dma_wait3A_203 = tpu.memref_squeeze %dma_wait3A_202 : memref<1x200x128xi32, #tpu.memory_space<vmem>> -> memref<200x128xi32, #tpu.memory_space<vmem>>
    %dma_wait3A_204 = arith.constant 0 : i32
    %dma_wait3A_205 = tpu.memref_slice %arg2[%dma_wait3A_204, %add3A_197] : memref<200x16384xi32, #tpu.memory_space<hbm>> -> memref<200x128xi32, #tpu.memory_space<hbm>>
    %dma_wait3A_206 = tpu.memref_slice %arg8[%dma_wait3A_199] : memref<4x!tpu.dma_semaphore, #tpu.memory_space<semaphore_mem>> -> memref<1x!tpu.dma_semaphore, #tpu.memory_space<semaphore_mem>>
    %dma_wait3A_207 = tpu.memref_squeeze %dma_wait3A_206 : memref<1x!tpu.dma_semaphore, #tpu.memory_space<semaphore_mem>> -> memref<!tpu.dma_semaphore, #tpu.memory_space<semaphore_mem>>
    %dma_wait3A_208 = arith.constant 0 : i32
    %dma_wait3A_209 = arith.constant 0 : i32
    %dma_wait3A_210 = tpu.memref_slice %arg6[%dma_wait3A_198, %dma_wait3A_208, %dma_wait3A_209] : memref<4x200x128xi32, #tpu.memory_space<vmem>> -> memref<1x200x128xi32, #tpu.memory_space<vmem>>
    %dma_wait3A_211 = tpu.memref_squeeze %dma_wait3A_210 : memref<1x200x128xi32, #tpu.memory_space<vmem>> -> memref<200x128xi32, #tpu.memory_space<vmem>>
    %dma_wait3A_212 = arith.constant 0 : i32
    %dma_wait3A_213 = tpu.memref_slice %arg2[%dma_wait3A_212, %add3A_197] : memref<200x16384xi32, #tpu.memory_space<hbm>> -> memref<200x128xi32, #tpu.memory_space<hbm>>
    tpu.wait_dma2 semaphore(%dma_wait3A_207 : memref<!tpu.dma_semaphore, #tpu.memory_space<semaphore_mem>>) src(%dma_wait3A_213 : memref<200x128xi32, #tpu.memory_space<hbm>>) dst(%dma_wait3A_211 : memref<200x128xi32, #tpu.memory_space<vmem>>)
    %parallel_loop3A_214 = arith.constant 0 : i32
    %parallel_loop3A_215 = arith.constant 200 : i32
    %parallel_loop3A_216 = arith.constant 1 : i32
    scf.for %parallel_loop3A_317 = %parallel_loop3A_214 to %parallel_loop3A_215 step %parallel_loop3A_216  : i32 {
      %parallel_loop3A_318 = arith.constant 3 : i32
      %parallel_loop3A_319 = arith.index_cast %parallel_loop3A_318 : i32 to index
      %parallel_loop3A_320 = arith.index_cast %parallel_loop3A_317 : i32 to index
      %parallel_loop3A_321 = arith.constant 0 : index
      %parallel_loop3A_322 = tpu.vector_load %arg6[%parallel_loop3A_319, %parallel_loop3A_320, %parallel_loop3A_321] {strides = array<i32>} : memref<4x200x128xi32, #tpu.memory_space<vmem>>, vector<16xi32>,
      %parallel_loop3A_323 = vector.shape_cast %parallel_loop3A_322 : vector<16xi32> to vector<16x1xi32>
      %parallel_loop3A_324 = vector.shape_cast %parallel_loop3A_323 : vector<16x1xi32> to vector<16xi32>
      %parallel_loop3A_325 = tpu.dynamic_gather %get3A_74[%parallel_loop3A_324] in [0] : vector<16xf32>, vector<16xi32> -> vector<16xf32>
      %parallel_loop3A_326 = arith.constant 3 : i32
      %parallel_loop3A_327 = tpu.memref_bitcast %arg6 : memref<4x200x128xi32, #tpu.memory_space<vmem>> -> memref<4x200x128xf32, #tpu.memory_space<vmem>>
      %parallel_loop3A_328 = arith.index_cast %parallel_loop3A_326 : i32 to index
      %parallel_loop3A_329 = arith.index_cast %parallel_loop3A_317 : i32 to index
      %parallel_loop3A_330 = arith.constant 0 : index
      %parallel_loop3A_331 = tpu.vector_load %parallel_loop3A_327[%parallel_loop3A_328, %parallel_loop3A_329, %parallel_loop3A_330] {strides = array<i32>} : memref<4x200x128xf32, #tpu.memory_space<vmem>>, vector<16xf32>,
      tpu.vector_store %parallel_loop3A_327[%parallel_loop3A_328, %parallel_loop3A_329, %parallel_loop3A_330], %parallel_loop3A_325 {strides = array<i32>} : memref<4x200x128xf32, #tpu.memory_space<vmem>>, vector<16xf32>,
      %parallel_loop3A_332 = arith.constant 3 : i32
      %parallel_loop3A_333 = arith.index_cast %parallel_loop3A_332 : i32 to index
      %parallel_loop3A_334 = arith.index_cast %parallel_loop3A_317 : i32 to index
      %parallel_loop3A_335 = arith.constant 16 : index
      %parallel_loop3A_336 = tpu.vector_load %arg6[%parallel_loop3A_333, %parallel_loop3A_334, %parallel_loop3A_335] {strides = array<i32>} : memref<4x200x128xi32, #tpu.memory_space<vmem>>, vector<16xi32>,
      %parallel_loop3A_337 = vector.shape_cast %parallel_loop3A_336 : vector<16xi32> to vector<16x1xi32>
      %parallel_loop3A_338 = vector.shape_cast %parallel_loop3A_337 : vector<16x1xi32> to vector<16xi32>
      %parallel_loop3A_339 = tpu.dynamic_gather %get3A_74[%parallel_loop3A_338] in [0] : vector<16xf32>, vector<16xi32> -> vector<16xf32>
      %parallel_loop3A_340 = arith.constant 3 : i32
      %parallel_loop3A_341 = tpu.memref_bitcast %arg6 : memref<4x200x128xi32, #tpu.memory_space<vmem>> -> memref<4x200x128xf32, #tpu.memory_space<vmem>>
      %parallel_loop3A_342 = arith.index_cast %parallel_loop3A_340 : i32 to index
      %parallel_loop3A_343 = arith.index_cast %parallel_loop3A_317 : i32 to index
      %parallel_loop3A_344 = arith.constant 16 : index
      %parallel_loop3A_345 = tpu.vector_load %parallel_loop3A_341[%parallel_loop3A_342, %parallel_loop3A_343, %parallel_loop3A_344] {strides = array<i32>} : memref<4x200x128xf32, #tpu.memory_space<vmem>>, vector<16xf32>,
      tpu.vector_store %parallel_loop3A_341[%parallel_loop3A_342, %parallel_loop3A_343, %parallel_loop3A_344], %parallel_loop3A_339 {strides = array<i32>} : memref<4x200x128xf32, #tpu.memory_space<vmem>>, vector<16xf32>,
      %parallel_loop3A_346 = arith.constant 3 : i32
      %parallel_loop3A_347 = arith.index_cast %parallel_loop3A_346 : i32 to index
      %parallel_loop3A_348 = arith.index_cast %parallel_loop3A_317 : i32 to index
      %parallel_loop3A_349 = arith.constant 32 : index
      %parallel_loop3A_350 = tpu.vector_load %arg6[%parallel_loop3A_347, %parallel_loop3A_348, %parallel_loop3A_349] {strides = array<i32>} : memref<4x200x128xi32, #tpu.memory_space<vmem>>, vector<16xi32>,
      %parallel_loop3A_351 = vector.shape_cast %parallel_loop3A_350 : vector<16xi32> to vector<16x1xi32>
      %parallel_loop3A_352 = vector.shape_cast %parallel_loop3A_351 : vector<16x1xi32> to vector<16xi32>
      %parallel_loop3A_353 = tpu.dynamic_gather %get3A_74[%parallel_loop3A_352] in [0] : vector<16xf32>, vector<16xi32> -> vector<16xf32>
      %parallel_loop3A_354 = arith.constant 3 : i32
      %parallel_loop3A_355 = tpu.memref_bitcast %arg6 : memref<4x200x128xi32, #tpu.memory_space<vmem>> -> memref<4x200x128xf32, #tpu.memory_space<vmem>>
      %parallel_loop3A_356 = arith.index_cast %parallel_loop3A_354 : i32 to index
      %parallel_loop3A_357 = arith.index_cast %parallel_loop3A_317 : i32 to index
      %parallel_loop3A_358 = arith.constant 32 : index
      %parallel_loop3A_359 = tpu.vector_load %parallel_loop3A_355[%parallel_loop3A_356, %parallel_loop3A_357, %parallel_loop3A_358] {strides = array<i32>} : memref<4x200x128xf32, #tpu.memory_space<vmem>>, vector<16xf32>,
      tpu.vector_store %parallel_loop3A_355[%parallel_loop3A_356, %parallel_loop3A_357, %parallel_loop3A_358], %parallel_loop3A_353 {strides = array<i32>} : memref<4x200x128xf32, #tpu.memory_space<vmem>>, vector<16xf32>,
      %parallel_loop3A_360 = arith.constant 3 : i32
      %parallel_loop3A_361 = arith.index_cast %parallel_loop3A_360 : i32 to index
      %parallel_loop3A_362 = arith.index_cast %parallel_loop3A_317 : i32 to index
      %parallel_loop3A_363 = arith.constant 48 : index
      %parallel_loop3A_364 = tpu.vector_load %arg6[%parallel_loop3A_361, %parallel_loop3A_362, %parallel_loop3A_363] {strides = array<i32>} : memref<4x200x128xi32, #tpu.memory_space<vmem>>, vector<16xi32>,
      %parallel_loop3A_365 = vector.shape_cast %parallel_loop3A_364 : vector<16xi32> to vector<16x1xi32>
      %parallel_loop3A_366 = vector.shape_cast %parallel_loop3A_365 : vector<16x1xi32> to vector<16xi32>
      %parallel_loop3A_367 = tpu.dynamic_gather %get3A_74[%parallel_loop3A_366] in [0] : vector<16xf32>, vector<16xi32> -> vector<16xf32>
      %parallel_loop3A_368 = arith.constant 3 : i32
      %parallel_loop3A_369 = tpu.memref_bitcast %arg6 : memref<4x200x128xi32, #tpu.memory_space<vmem>> -> memref<4x200x128xf32, #tpu.memory_space<vmem>>
      %parallel_loop3A_370 = arith.index_cast %parallel_loop3A_368 : i32 to index
      %parallel_loop3A_371 = arith.index_cast %parallel_loop3A_317 : i32 to index
      %parallel_loop3A_372 = arith.constant 48 : index
      %parallel_loop3A_373 = tpu.vector_load %parallel_loop3A_369[%parallel_loop3A_370, %parallel_loop3A_371, %parallel_loop3A_372] {strides = array<i32>} : memref<4x200x128xf32, #tpu.memory_space<vmem>>, vector<16xf32>,
      tpu.vector_store %parallel_loop3A_369[%parallel_loop3A_370, %parallel_loop3A_371, %parallel_loop3A_372], %parallel_loop3A_367 {strides = array<i32>} : memref<4x200x128xf32, #tpu.memory_space<vmem>>, vector<16xf32>,
      %parallel_loop3A_374 = arith.constant 3 : i32
      %parallel_loop3A_375 = arith.index_cast %parallel_loop3A_374 : i32 to index
      %parallel_loop3A_376 = arith.index_cast %parallel_loop3A_317 : i32 to index
      %parallel_loop3A_377 = arith.constant 64 : index
      %parallel_loop3A_378 = tpu.vector_load %arg6[%parallel_loop3A_375, %parallel_loop3A_376, %parallel_loop3A_377] {strides = array<i32>} : memref<4x200x128xi32, #tpu.memory_space<vmem>>, vector<16xi32>,
      %parallel_loop3A_379 = vector.shape_cast %parallel_loop3A_378 : vector<16xi32> to vector<16x1xi32>
      %parallel_loop3A_380 = vector.shape_cast %parallel_loop3A_379 : vector<16x1xi32> to vector<16xi32>
      %parallel_loop3A_381 = tpu.dynamic_gather %get3A_74[%parallel_loop3A_380] in [0] : vector<16xf32>, vector<16xi32> -> vector<16xf32>
      %parallel_loop3A_382 = arith.constant 3 : i32
      %parallel_loop3A_383 = tpu.memref_bitcast %arg6 : memref<4x200x128xi32, #tpu.memory_space<vmem>> -> memref<4x200x128xf32, #tpu.memory_space<vmem>>
      %parallel_loop3A_384 = arith.index_cast %parallel_loop3A_382 : i32 to index
      %parallel_loop3A_385 = arith.index_cast %parallel_loop3A_317 : i32 to index
      %parallel_loop3A_386 = arith.constant 64 : index
      %parallel_loop3A_387 = tpu.vector_load %parallel_loop3A_383[%parallel_loop3A_384, %parallel_loop3A_385, %parallel_loop3A_386] {strides = array<i32>} : memref<4x200x128xf32, #tpu.memory_space<vmem>>, vector<16xf32>,
      tpu.vector_store %parallel_loop3A_383[%parallel_loop3A_384, %parallel_loop3A_385, %parallel_loop3A_386], %parallel_loop3A_381 {strides = array<i32>} : memref<4x200x128xf32, #tpu.memory_space<vmem>>, vector<16xf32>,
      %parallel_loop3A_388 = arith.constant 3 : i32
      %parallel_loop3A_389 = arith.index_cast %parallel_loop3A_388 : i32 to index
      %parallel_loop3A_390 = arith.index_cast %parallel_loop3A_317 : i32 to index
      %parallel_loop3A_391 = arith.constant 80 : index
      %parallel_loop3A_392 = tpu.vector_load %arg6[%parallel_loop3A_389, %parallel_loop3A_390, %parallel_loop3A_391] {strides = array<i32>} : memref<4x200x128xi32, #tpu.memory_space<vmem>>, vector<16xi32>,
      %parallel_loop3A_393 = vector.shape_cast %parallel_loop3A_392 : vector<16xi32> to vector<16x1xi32>
      %parallel_loop3A_394 = vector.shape_cast %parallel_loop3A_393 : vector<16x1xi32> to vector<16xi32>
      %parallel_loop3A_395 = tpu.dynamic_gather %get3A_74[%parallel_loop3A_394] in [0] : vector<16xf32>, vector<16xi32> -> vector<16xf32>
      %parallel_loop3A_396 = arith.constant 3 : i32
      %parallel_loop3A_397 = tpu.memref_bitcast %arg6 : memref<4x200x128xi32, #tpu.memory_space<vmem>> -> memref<4x200x128xf32, #tpu.memory_space<vmem>>
      %parallel_loop3A_398 = arith.index_cast %parallel_loop3A_396 : i32 to index
      %parallel_loop3A_399 = arith.index_cast %parallel_loop3A_317 : i32 to index
      %parallel_loop3A_400 = arith.constant 80 : index
      %parallel_loop3A_401 = tpu.vector_load %parallel_loop3A_397[%parallel_loop3A_398, %parallel_loop3A_399, %parallel_loop3A_400] {strides = array<i32>} : memref<4x200x128xf32, #tpu.memory_space<vmem>>, vector<16xf32>,
      tpu.vector_store %parallel_loop3A_397[%parallel_loop3A_398, %parallel_loop3A_399, %parallel_loop3A_400], %parallel_loop3A_395 {strides = array<i32>} : memref<4x200x128xf32, #tpu.memory_space<vmem>>, vector<16xf32>,
      %parallel_loop3A_402 = arith.constant 3 : i32
      %parallel_loop3A_403 = arith.index_cast %parallel_loop3A_402 : i32 to index
      %parallel_loop3A_404 = arith.index_cast %parallel_loop3A_317 : i32 to index
      %parallel_loop3A_405 = arith.constant 96 : index
      %parallel_loop3A_406 = tpu.vector_load %arg6[%parallel_loop3A_403, %parallel_loop3A_404, %parallel_loop3A_405] {strides = array<i32>} : memref<4x200x128xi32, #tpu.memory_space<vmem>>, vector<16xi32>,
      %parallel_loop3A_407 = vector.shape_cast %parallel_loop3A_406 : vector<16xi32> to vector<16x1xi32>
      %parallel_loop3A_408 = vector.shape_cast %parallel_loop3A_407 : vector<16x1xi32> to vector<16xi32>
      %parallel_loop3A_409 = tpu.dynamic_gather %get3A_74[%parallel_loop3A_408] in [0] : vector<16xf32>, vector<16xi32> -> vector<16xf32>
      %parallel_loop3A_410 = arith.constant 3 : i32
      %parallel_loop3A_411 = tpu.memref_bitcast %arg6 : memref<4x200x128xi32, #tpu.memory_space<vmem>> -> memref<4x200x128xf32, #tpu.memory_space<vmem>>
      %parallel_loop3A_412 = arith.index_cast %parallel_loop3A_410 : i32 to index
      %parallel_loop3A_413 = arith.index_cast %parallel_loop3A_317 : i32 to index
      %parallel_loop3A_414 = arith.constant 96 : index
      %parallel_loop3A_415 = tpu.vector_load %parallel_loop3A_411[%parallel_loop3A_412, %parallel_loop3A_413, %parallel_loop3A_414] {strides = array<i32>} : memref<4x200x128xf32, #tpu.memory_space<vmem>>, vector<16xf32>,
      tpu.vector_store %parallel_loop3A_411[%parallel_loop3A_412, %parallel_loop3A_413, %parallel_loop3A_414], %parallel_loop3A_409 {strides = array<i32>} : memref<4x200x128xf32, #tpu.memory_space<vmem>>, vector<16xf32>,
      %parallel_loop3A_416 = arith.constant 3 : i32
      %parallel_loop3A_417 = arith.index_cast %parallel_loop3A_416 : i32 to index
      %parallel_loop3A_418 = arith.index_cast %parallel_loop3A_317 : i32 to index
      %parallel_loop3A_419 = arith.constant 112 : index
      %parallel_loop3A_420 = tpu.vector_load %arg6[%parallel_loop3A_417, %parallel_loop3A_418, %parallel_loop3A_419] {strides = array<i32>} : memref<4x200x128xi32, #tpu.memory_space<vmem>>, vector<16xi32>,
      %parallel_loop3A_421 = vector.shape_cast %parallel_loop3A_420 : vector<16xi32> to vector<16x1xi32>
      %parallel_loop3A_422 = vector.shape_cast %parallel_loop3A_421 : vector<16x1xi32> to vector<16xi32>
      %parallel_loop3A_423 = tpu.dynamic_gather %get3A_74[%parallel_loop3A_422] in [0] : vector<16xf32>, vector<16xi32> -> vector<16xf32>
      %parallel_loop3A_424 = arith.constant 3 : i32
      %parallel_loop3A_425 = tpu.memref_bitcast %arg6 : memref<4x200x128xi32, #tpu.memory_space<vmem>> -> memref<4x200x128xf32, #tpu.memory_space<vmem>>
      %parallel_loop3A_426 = arith.index_cast %parallel_loop3A_424 : i32 to index
      %parallel_loop3A_427 = arith.index_cast %parallel_loop3A_317 : i32 to index
      %parallel_loop3A_428 = arith.constant 112 : index
      %parallel_loop3A_429 = tpu.vector_load %parallel_loop3A_425[%parallel_loop3A_426, %parallel_loop3A_427, %parallel_loop3A_428] {strides = array<i32>} : memref<4x200x128xf32, #tpu.memory_space<vmem>>, vector<16xf32>,
      tpu.vector_store %parallel_loop3A_425[%parallel_loop3A_426, %parallel_loop3A_427, %parallel_loop3A_428], %parallel_loop3A_423 {strides = array<i32>} : memref<4x200x128xf32, #tpu.memory_space<vmem>>, vector<16xf32>,
    } {sc.loop_unroll_factor = 2 : i64, sc.parallel_access}
    %add3A_217 = arith.constant 384 : i32
    %add3A_218 = arith.addi %mul3A_2, %add3A_217 : i32
    %dma_start3A_219 = arith.constant 3 : i32
    %dma_start3A_220 = arith.constant 3 : i32
    %dma_start3A_221 = tpu.memref_bitcast %arg6 : memref<4x200x128xi32, #tpu.memory_space<vmem>> -> memref<4x200x128xf32, #tpu.memory_space<vmem>>
    %dma_start3A_222 = arith.constant 0 : i32
    %dma_start3A_223 = arith.constant 0 : i32
    %dma_start3A_224 = tpu.memref_slice %dma_start3A_221[%dma_start3A_219, %dma_start3A_222, %dma_start3A_223] : memref<4x200x128xf32, #tpu.memory_space<vmem>> -> memref<1x200x128xf32, #tpu.memory_space<vmem>>
    %dma_start3A_225 = tpu.memref_squeeze %dma_start3A_224 : memref<1x200x128xf32, #tpu.memory_space<vmem>> -> memref<200x128xf32, #tpu.memory_space<vmem>>
    %dma_start3A_226 = arith.constant 0 : i32
    %dma_start3A_227 = tpu.memref_slice %arg4[%dma_start3A_226, %add3A_218] : memref<200x16384xf32, #tpu.memory_space<hbm>> -> memref<200x128xf32, #tpu.memory_space<hbm>>
    %dma_start3A_228 = tpu.memref_slice %arg9[%dma_start3A_220] : memref<4x!tpu.dma_semaphore, #tpu.memory_space<semaphore_mem>> -> memref<1x!tpu.dma_semaphore, #tpu.memory_space<semaphore_mem>>
    %dma_start3A_229 = tpu.memref_squeeze %dma_start3A_228 : memref<1x!tpu.dma_semaphore, #tpu.memory_space<semaphore_mem>> -> memref<!tpu.dma_semaphore, #tpu.memory_space<semaphore_mem>>
    %dma_start3A_230 = arith.constant 0 : i32
    %dma_start3A_231 = tpu.memref_slice %arg4[%dma_start3A_230, %add3A_218] : memref<200x16384xf32, #tpu.memory_space<hbm>> -> memref<200x128xf32, #tpu.memory_space<hbm>>
    %dma_start3A_232 = tpu.memref_bitcast %arg6 : memref<4x200x128xi32, #tpu.memory_space<vmem>> -> memref<4x200x128xf32, #tpu.memory_space<vmem>>
    %dma_start3A_233 = arith.constant 0 : i32
    %dma_start3A_234 = arith.constant 0 : i32
    %dma_start3A_235 = tpu.memref_slice %dma_start3A_232[%dma_start3A_219, %dma_start3A_233, %dma_start3A_234] : memref<4x200x128xf32, #tpu.memory_space<vmem>> -> memref<1x200x128xf32, #tpu.memory_space<vmem>>
    %dma_start3A_236 = tpu.memref_squeeze %dma_start3A_235 : memref<1x200x128xf32, #tpu.memory_space<vmem>> -> memref<200x128xf32, #tpu.memory_space<vmem>>
    tpu.enqueue_dma source(%dma_start3A_236 : memref<200x128xf32, #tpu.memory_space<vmem>>) target(%dma_start3A_231 : memref<200x128xf32, #tpu.memory_space<hbm>>) target_semaphore(%dma_start3A_229 : memref<!tpu.dma_semaphore, #tpu.memory_space<semaphore_mem>>)
    %add3A_237 = arith.constant 0 : i32
    %add3A_238 = arith.addi %mul3A_2, %add3A_237 : i32
    %dma_wait3A_239 = arith.constant 0 : i32
    %dma_wait3A_240 = arith.constant 0 : i32
    %dma_wait3A_241 = tpu.memref_bitcast %arg6 : memref<4x200x128xi32, #tpu.memory_space<vmem>> -> memref<4x200x128xf32, #tpu.memory_space<vmem>>
    %dma_wait3A_242 = arith.constant 0 : i32
    %dma_wait3A_243 = arith.constant 0 : i32
    %dma_wait3A_244 = tpu.memref_slice %dma_wait3A_241[%dma_wait3A_239, %dma_wait3A_242, %dma_wait3A_243] : memref<4x200x128xf32, #tpu.memory_space<vmem>> -> memref<1x200x128xf32, #tpu.memory_space<vmem>>
    %dma_wait3A_245 = tpu.memref_squeeze %dma_wait3A_244 : memref<1x200x128xf32, #tpu.memory_space<vmem>> -> memref<200x128xf32, #tpu.memory_space<vmem>>
    %dma_wait3A_246 = arith.constant 0 : i32
    %dma_wait3A_247 = tpu.memref_slice %arg4[%dma_wait3A_246, %add3A_238] : memref<200x16384xf32, #tpu.memory_space<hbm>> -> memref<200x128xf32, #tpu.memory_space<hbm>>
    %dma_wait3A_248 = tpu.memref_slice %arg9[%dma_wait3A_240] : memref<4x!tpu.dma_semaphore, #tpu.memory_space<semaphore_mem>> -> memref<1x!tpu.dma_semaphore, #tpu.memory_space<semaphore_mem>>
    %dma_wait3A_249 = tpu.memref_squeeze %dma_wait3A_248 : memref<1x!tpu.dma_semaphore, #tpu.memory_space<semaphore_mem>> -> memref<!tpu.dma_semaphore, #tpu.memory_space<semaphore_mem>>
    %dma_wait3A_250 = arith.constant 0 : i32
    %dma_wait3A_251 = tpu.memref_slice %arg4[%dma_wait3A_250, %add3A_238] : memref<200x16384xf32, #tpu.memory_space<hbm>> -> memref<200x128xf32, #tpu.memory_space<hbm>>
    %dma_wait3A_252 = tpu.memref_bitcast %arg6 : memref<4x200x128xi32, #tpu.memory_space<vmem>> -> memref<4x200x128xf32, #tpu.memory_space<vmem>>
    %dma_wait3A_253 = arith.constant 0 : i32
    %dma_wait3A_254 = arith.constant 0 : i32
    %dma_wait3A_255 = tpu.memref_slice %dma_wait3A_252[%dma_wait3A_239, %dma_wait3A_253, %dma_wait3A_254] : memref<4x200x128xf32, #tpu.memory_space<vmem>> -> memref<1x200x128xf32, #tpu.memory_space<vmem>>
    %dma_wait3A_256 = tpu.memref_squeeze %dma_wait3A_255 : memref<1x200x128xf32, #tpu.memory_space<vmem>> -> memref<200x128xf32, #tpu.memory_space<vmem>>
    tpu.wait_dma2 semaphore(%dma_wait3A_249 : memref<!tpu.dma_semaphore, #tpu.memory_space<semaphore_mem>>) src(%dma_wait3A_256 : memref<200x128xf32, #tpu.memory_space<vmem>>) dst(%dma_wait3A_251 : memref<200x128xf32, #tpu.memory_space<hbm>>)
    %add3A_257 = arith.constant 128 : i32
    %add3A_258 = arith.addi %mul3A_2, %add3A_257 : i32
    %dma_wait3A_259 = arith.constant 1 : i32
    %dma_wait3A_260 = arith.constant 1 : i32
    %dma_wait3A_261 = tpu.memref_bitcast %arg6 : memref<4x200x128xi32, #tpu.memory_space<vmem>> -> memref<4x200x128xf32, #tpu.memory_space<vmem>>
    %dma_wait3A_262 = arith.constant 0 : i32
    %dma_wait3A_263 = arith.constant 0 : i32
    %dma_wait3A_264 = tpu.memref_slice %dma_wait3A_261[%dma_wait3A_259, %dma_wait3A_262, %dma_wait3A_263] : memref<4x200x128xf32, #tpu.memory_space<vmem>> -> memref<1x200x128xf32, #tpu.memory_space<vmem>>
    %dma_wait3A_265 = tpu.memref_squeeze %dma_wait3A_264 : memref<1x200x128xf32, #tpu.memory_space<vmem>> -> memref<200x128xf32, #tpu.memory_space<vmem>>
    %dma_wait3A_266 = arith.constant 0 : i32
    %dma_wait3A_267 = tpu.memref_slice %arg4[%dma_wait3A_266, %add3A_258] : memref<200x16384xf32, #tpu.memory_space<hbm>> -> memref<200x128xf32, #tpu.memory_space<hbm>>
    %dma_wait3A_268 = tpu.memref_slice %arg9[%dma_wait3A_260] : memref<4x!tpu.dma_semaphore, #tpu.memory_space<semaphore_mem>> -> memref<1x!tpu.dma_semaphore, #tpu.memory_space<semaphore_mem>>
    %dma_wait3A_269 = tpu.memref_squeeze %dma_wait3A_268 : memref<1x!tpu.dma_semaphore, #tpu.memory_space<semaphore_mem>> -> memref<!tpu.dma_semaphore, #tpu.memory_space<semaphore_mem>>
    %dma_wait3A_270 = arith.constant 0 : i32
    %dma_wait3A_271 = tpu.memref_slice %arg4[%dma_wait3A_270, %add3A_258] : memref<200x16384xf32, #tpu.memory_space<hbm>> -> memref<200x128xf32, #tpu.memory_space<hbm>>
    %dma_wait3A_272 = tpu.memref_bitcast %arg6 : memref<4x200x128xi32, #tpu.memory_space<vmem>> -> memref<4x200x128xf32, #tpu.memory_space<vmem>>
    %dma_wait3A_273 = arith.constant 0 : i32
    %dma_wait3A_274 = arith.constant 0 : i32
    %dma_wait3A_275 = tpu.memref_slice %dma_wait3A_272[%dma_wait3A_259, %dma_wait3A_273, %dma_wait3A_274] : memref<4x200x128xf32, #tpu.memory_space<vmem>> -> memref<1x200x128xf32, #tpu.memory_space<vmem>>
    %dma_wait3A_276 = tpu.memref_squeeze %dma_wait3A_275 : memref<1x200x128xf32, #tpu.memory_space<vmem>> -> memref<200x128xf32, #tpu.memory_space<vmem>>
    tpu.wait_dma2 semaphore(%dma_wait3A_269 : memref<!tpu.dma_semaphore, #tpu.memory_space<semaphore_mem>>) src(%dma_wait3A_276 : memref<200x128xf32, #tpu.memory_space<vmem>>) dst(%dma_wait3A_271 : memref<200x128xf32, #tpu.memory_space<hbm>>)
    %add3A_277 = arith.constant 256 : i32
    %add3A_278 = arith.addi %mul3A_2, %add3A_277 : i32
    %dma_wait3A_279 = arith.constant 2 : i32
    %dma_wait3A_280 = arith.constant 2 : i32
    %dma_wait3A_281 = tpu.memref_bitcast %arg6 : memref<4x200x128xi32, #tpu.memory_space<vmem>> -> memref<4x200x128xf32, #tpu.memory_space<vmem>>
    %dma_wait3A_282 = arith.constant 0 : i32
    %dma_wait3A_283 = arith.constant 0 : i32
    %dma_wait3A_284 = tpu.memref_slice %dma_wait3A_281[%dma_wait3A_279, %dma_wait3A_282, %dma_wait3A_283] : memref<4x200x128xf32, #tpu.memory_space<vmem>> -> memref<1x200x128xf32, #tpu.memory_space<vmem>>
    %dma_wait3A_285 = tpu.memref_squeeze %dma_wait3A_284 : memref<1x200x128xf32, #tpu.memory_space<vmem>> -> memref<200x128xf32, #tpu.memory_space<vmem>>
    %dma_wait3A_286 = arith.constant 0 : i32
    %dma_wait3A_287 = tpu.memref_slice %arg4[%dma_wait3A_286, %add3A_278] : memref<200x16384xf32, #tpu.memory_space<hbm>> -> memref<200x128xf32, #tpu.memory_space<hbm>>
    %dma_wait3A_288 = tpu.memref_slice %arg9[%dma_wait3A_280] : memref<4x!tpu.dma_semaphore, #tpu.memory_space<semaphore_mem>> -> memref<1x!tpu.dma_semaphore, #tpu.memory_space<semaphore_mem>>
    %dma_wait3A_289 = tpu.memref_squeeze %dma_wait3A_288 : memref<1x!tpu.dma_semaphore, #tpu.memory_space<semaphore_mem>> -> memref<!tpu.dma_semaphore, #tpu.memory_space<semaphore_mem>>
    %dma_wait3A_290 = arith.constant 0 : i32
    %dma_wait3A_291 = tpu.memref_slice %arg4[%dma_wait3A_290, %add3A_278] : memref<200x16384xf32, #tpu.memory_space<hbm>> -> memref<200x128xf32, #tpu.memory_space<hbm>>
    %dma_wait3A_292 = tpu.memref_bitcast %arg6 : memref<4x200x128xi32, #tpu.memory_space<vmem>> -> memref<4x200x128xf32, #tpu.memory_space<vmem>>
    %dma_wait3A_293 = arith.constant 0 : i32
    %dma_wait3A_294 = arith.constant 0 : i32
    %dma_wait3A_295 = tpu.memref_slice %dma_wait3A_292[%dma_wait3A_279, %dma_wait3A_293, %dma_wait3A_294] : memref<4x200x128xf32, #tpu.memory_space<vmem>> -> memref<1x200x128xf32, #tpu.memory_space<vmem>>
    %dma_wait3A_296 = tpu.memref_squeeze %dma_wait3A_295 : memref<1x200x128xf32, #tpu.memory_space<vmem>> -> memref<200x128xf32, #tpu.memory_space<vmem>>
    tpu.wait_dma2 semaphore(%dma_wait3A_289 : memref<!tpu.dma_semaphore, #tpu.memory_space<semaphore_mem>>) src(%dma_wait3A_296 : memref<200x128xf32, #tpu.memory_space<vmem>>) dst(%dma_wait3A_291 : memref<200x128xf32, #tpu.memory_space<hbm>>)
    %add3A_297 = arith.constant 384 : i32
    %add3A_298 = arith.addi %mul3A_2, %add3A_297 : i32
    %dma_wait3A_299 = arith.constant 3 : i32
    %dma_wait3A_300 = arith.constant 3 : i32
    %dma_wait3A_301 = tpu.memref_bitcast %arg6 : memref<4x200x128xi32, #tpu.memory_space<vmem>> -> memref<4x200x128xf32, #tpu.memory_space<vmem>>
    %dma_wait3A_302 = arith.constant 0 : i32
    %dma_wait3A_303 = arith.constant 0 : i32
    %dma_wait3A_304 = tpu.memref_slice %dma_wait3A_301[%dma_wait3A_299, %dma_wait3A_302, %dma_wait3A_303] : memref<4x200x128xf32, #tpu.memory_space<vmem>> -> memref<1x200x128xf32, #tpu.memory_space<vmem>>
    %dma_wait3A_305 = tpu.memref_squeeze %dma_wait3A_304 : memref<1x200x128xf32, #tpu.memory_space<vmem>> -> memref<200x128xf32, #tpu.memory_space<vmem>>
    %dma_wait3A_306 = arith.constant 0 : i32
    %dma_wait3A_307 = tpu.memref_slice %arg4[%dma_wait3A_306, %add3A_298] : memref<200x16384xf32, #tpu.memory_space<hbm>> -> memref<200x128xf32, #tpu.memory_space<hbm>>
    %dma_wait3A_308 = tpu.memref_slice %arg9[%dma_wait3A_300] : memref<4x!tpu.dma_semaphore, #tpu.memory_space<semaphore_mem>> -> memref<1x!tpu.dma_semaphore, #tpu.memory_space<semaphore_mem>>
    %dma_wait3A_309 = tpu.memref_squeeze %dma_wait3A_308 : memref<1x!tpu.dma_semaphore, #tpu.memory_space<semaphore_mem>> -> memref<!tpu.dma_semaphore, #tpu.memory_space<semaphore_mem>>
    %dma_wait3A_310 = arith.constant 0 : i32
    %dma_wait3A_311 = tpu.memref_slice %arg4[%dma_wait3A_310, %add3A_298] : memref<200x16384xf32, #tpu.memory_space<hbm>> -> memref<200x128xf32, #tpu.memory_space<hbm>>
    %dma_wait3A_312 = tpu.memref_bitcast %arg6 : memref<4x200x128xi32, #tpu.memory_space<vmem>> -> memref<4x200x128xf32, #tpu.memory_space<vmem>>
    %dma_wait3A_313 = arith.constant 0 : i32
    %dma_wait3A_314 = arith.constant 0 : i32
    %dma_wait3A_315 = tpu.memref_slice %dma_wait3A_312[%dma_wait3A_299, %dma_wait3A_313, %dma_wait3A_314] : memref<4x200x128xf32, #tpu.memory_space<vmem>> -> memref<1x200x128xf32, #tpu.memory_space<vmem>>
    %dma_wait3A_316 = tpu.memref_squeeze %dma_wait3A_315 : memref<1x200x128xf32, #tpu.memory_space<vmem>> -> memref<200x128xf32, #tpu.memory_space<vmem>>
    tpu.wait_dma2 semaphore(%dma_wait3A_309 : memref<!tpu.dma_semaphore, #tpu.memory_space<semaphore_mem>>) src(%dma_wait3A_316 : memref<200x128xf32, #tpu.memory_space<vmem>>) dst(%dma_wait3A_311 : memref<200x128xf32, #tpu.memory_space<hbm>>)
    return
  }
}

</mosaic_0001>

<sc_bundles>
// kernel: kernel.3.cloned.1.call-start
scs
__scs_entry_jumppad:
0x0: {  	(pc) =	sbr.rel $0x88, $3  }
0x1: {  	(tag) =	ssettag $0x0;
	lr =	simm.s32 $0x1  }
0x2: {  	[smem:$0x3F9F] =	sst lr;
	_ =	strace $0xD0000000  }
0x3: {  	_ = 	snop  }
0x4: {  	_ = 	snop  }
0x5: {  	_ = 	snop  }
0x6: {  	_ = 	snop  }
0x7: {  	_ = 	snop  }
__scs_overlays_trampoline_lowered:
0x8: {  	[smem:$0x3FAE] =	sst s0  }
0x9: {  	[smem:$0x3FAF] =	sst s1  }
0xa: {  	[smem:$0x3FB0] =	sst s2  }
0xb: {  	[smem:$0x3FB1] =	sst s3  }
0xc: {  	[smem:$0x3FB2] =	sst s4  }
0xd: {  	[smem:$0x3FB3] =	sst s5  }
0xe: {  	[smem:$0x3FB4] =	sst s6  }
0xf: {  	[smem:$0x3FB5] =	sst s7  }
0x10: {  	[smem:$0x3FB6] =	sst s8  }
0x11: {  	[smem:$0x3FB7] =	sst s9;
	s0 =	simm.s32 @!p0 $0x0  }
0x12: {  	s1 =	sld [smem:$0x3F9D];
	s0 =	simm.s32 @p0 $0x1  }
0x13: {  	[smem:$0x3FB8] =	sst s0;
	s0 =	simm.s32 @!p1 $0x0  }
0x14: {  	s2 =	sld [smem:$0x3F9C];
	s0 =	simm.s32 @p1 $0x1  }
0x15: {  	[smem:$0x3FB9] =	sst s0;
	s0 =	simm.s32 @!p2 $0x0  }
0x16: {  	s3 =	sld [smem:$0x3FDB];
	s0 =	simm.s32 @p2 $0x1  }
0x17: {  	s4 =	simm.s32 $0x1BF5;
	[smem:$0x3FBB] =	sst s0  }
0x18: {  	s0 =	sld [smem:$0x3F9E];
	_ =	swait.ge [sflag:s4], $0x0  }
0x19: {  	s7 =	sld [smem:$0x3F9F]  }
0x1a: {  	s8 =	sadd.s32 $0xFFFFE003, lr  }
0x1b: {  	s9 =	sadd.s32 $0xFFFFFEF7, lr;
	s5 =	simm.s32 $0xFFFFFFFF;
	p2 =	slt.u32 s8, $0xFFFFF086  }
0x1c: {  	p1 =	slt.u32 s9, $0xF7A;
	s5 =	simm.s32 @!p2 $0x0  }
0x1d: {  	s5 =	simm.s32 @p1 $0x1;
	p0 =	seq.s32 s7, s2  }
0x1e: {  	s7 =	smul.u32 @!p0 $0xF7A, s2;
	p2 =	seq.s32 @!p0 s5, $0x0  }
0x1f: {  	s9 =	smul.u32 $0xF7A, s1;
	s8 =	simm.s32 @!p0 $0x1BF5;
	p2 =	por !p2, p0  }
0x20: {  	[sflag:s8] =	ssyncset.s32 @!p0 $0xFFFFF086;
	s6 =	sadd.s32 @!p0 s3, s7;
	s7 =	simm.s32 @!p0 $0x108  }
0x21: {  	s3 =	sadd.s32 s3, s9;
	s6 =	sadd.s32 @!p0 $0x88, s6;
	s7 =	simm.s32 @p2 $0x1082  }
0x22: {  	[simem:s7], [sflag:s8] =	dma.local @!p0 [hbm:s6], $0xF7A  }
0x23: {  	s9 =	sor.u32 $0xD0000000, s2;
	s6 =	simm.s32 $0x108;
	_ =	swait.ge @!p0 [sflag:s8], $0x0  }
0x24: {  	s3 =	sadd.s32 $0x88, s3;
	s6 =	simm.s32 @!p1 $0x1082;
	[sflag:s4] =	ssyncset.s32 $0xFFFFF086  }
0x25: {  	[simem:s6], [sflag:s4] =	dma.local [hbm:s3], $0xF7A  }
0x26: {  	[smem:$0x3F9F] =	sst s1;
	(tag) =	ssettag s2;
	_ =	strace s9  }
0x27: {  	s1 =	sld [smem:$0x3FAF]  }
0x28: {  	s2 =	sld [smem:$0x3FB0]  }
0x29: {  	s4 =	sld [smem:$0x3FB2]  }
0x2a: {  	p0 =	seq.s32 s5, $0x0;
	s5 =	sld [smem:$0x3FB3]  }
0x2b: {  	s6 =	sld [smem:$0x3FB4]  }
0x2c: {  	s7 =	sld [smem:$0x3FB5]  }
0x2d: {  	s3 =	simm.s32 $0x108;
	s8 =	sld [smem:$0x3FB6]  }
0x2e: {  	s3 =	simm.s32 @!p0 $0x1082;
	s9 =	sld [smem:$0x3FB7]  }
0x2f: {  	lr =	sadd.s32 s0, s3;
	s0 =	sld [smem:$0x3FAE]  }
0x30: {  	s3 =	sld [smem:$0x3FB1]  }
0x31: {  	[smem:$0x3FBA] =	sst s10  }
0x32: {  	s10 =	sld [smem:$0x3FB8];
	_ =	sdelay $0x3  }
0x33: {  	p0 =	seq.s32 s10, $0x1;
	s10 =	sld [smem:$0x3FBA];
	_ =	sdelay $0x3  }
0x34: {  	[smem:$0x3FBA] =	sst s10  }
0x35: {  	s10 =	sld [smem:$0x3FB9];
	_ =	sdelay $0x3  }
0x36: {  	p1 =	seq.s32 s10, $0x1;
	s10 =	sld [smem:$0x3FBA];
	_ =	sdelay $0x3  }
0x37: {  	[smem:$0x3FBA] =	sst s10  }
0x38: {  	s10 =	sld [smem:$0x3FBB]  }
0x39: {  	_ = 	snop;
	(pc) =	sbr.ind lr, $3  }
0x3a: {  	_ = 	snop  }
0x3b: {  	_ = 	snop  }
0x3c: {  	p2 =	seq.s32 s10, $0x1;
	s10 =	sld [smem:$0x3FBA]  }
0x3d: {  	_ =	shalt  }
0x3e: {  	_ =	shalt  }
0x3f: {  	_ =	shalt  }
0x40: {  	_ =	shalt  }
0x41: {  	_ =	shalt  }
0x42: {  	_ =	shalt  }
0x43: {  	_ =	shalt  }
0x44: {  	_ =	shalt  }
0x45: {  	_ =	shalt  }
0x46: {  	_ =	shalt  }
0x47: {  	_ =	shalt  }
0x48: {  	_ =	shalt  }
0x49: {  	_ =	shalt  }
0x4a: {  	_ =	shalt  }
0x4b: {  	_ =	shalt  }
0x4c: {  	_ =	shalt  }
0x4d: {  	_ =	shalt  }
0x4e: {  	_ =	shalt  }
0x4f: {  	_ =	shalt  }
0x50: {  	_ =	shalt  }
0x51: {  	_ =	shalt  }
0x52: {  	_ =	shalt  }
0x53: {  	_ =	shalt  }
0x54: {  	_ =	shalt  }
0x55: {  	_ =	shalt  }
0x56: {  	_ =	shalt  }
0x57: {  	_ =	shalt  }
0x58: {  	_ =	shalt  }
0x59: {  	_ =	shalt  }
0x5a: {  	_ =	shalt  }
0x5b: {  	_ =	shalt  }
0x5c: {  	_ =	shalt  }
0x5d: {  	_ =	shalt  }
0x5e: {  	_ =	shalt  }
0x5f: {  	_ =	shalt  }
0x60: {  	_ =	shalt  }
0x61: {  	_ =	shalt  }
0x62: {  	_ =	shalt  }
0x63: {  	_ =	shalt  }
0x64: {  	_ =	shalt  }
0x65: {  	_ =	shalt  }
0x66: {  	_ =	shalt  }
0x67: {  	_ =	shalt  }
0x68: {  	_ =	shalt  }
0x69: {  	_ =	shalt  }
0x6a: {  	_ =	shalt  }
0x6b: {  	_ =	shalt  }
0x6c: {  	_ =	shalt  }
0x6d: {  	_ =	shalt  }
0x6e: {  	_ =	shalt  }
0x6f: {  	_ =	shalt  }
0x70: {  	_ =	shalt  }
0x71: {  	_ =	shalt  }
0x72: {  	_ =	shalt  }
0x73: {  	_ =	shalt  }
0x74: {  	_ =	shalt  }
0x75: {  	_ =	shalt  }
0x76: {  	_ =	shalt  }
0x77: {  	_ =	shalt  }
0x78: {  	_ =	shalt  }
0x79: {  	_ =	shalt  }
0x7a: {  	_ =	shalt  }
0x7b: {  	_ =	shalt  }
0x7c: {  	_ =	shalt  }
0x7d: {  	_ =	shalt  }
0x7e: {  	_ =	shalt  }
0x7f: {  	_ =	shalt  }
0x80: {  	_ =	shalt  }
0x81: {  	_ =	shalt  }
0x82: {  	_ =	shalt  }
0x83: {  	_ =	shalt  }
0x84: {  	_ =	shalt  }
0x85: {  	_ =	shalt  }
0x86: {  	_ =	shalt  }
0x87: {  	_ =	shalt  }
.Lfunc_end0:
.L_simem_size_0:
called_computation_lowered:
.L_overlay_start_0:
0x88: {  	s2 =	sld [smem:$0x3FD9]  }
0x89: {  	s3 =	sld [smem:$0x3FFE];
	_ =	sdelay $0x1  }
0x8a: {  	s1 =	srdreg.scid  }
0x8b: {  	s0 =	sand.u32 $0x1, s1  }
0x8c: {  	s18 =	sshll.u32 s0, $0xA;
	s2 =	sadd.s32 s3, s2  }
0x8d: {  	s2 =	sadd.s32 s2, s18  }
0x8e: {  	[smem:$0x3FC6] =	sst s2  }
0x8f: {  	_ = 	snop  }
0x90: {  	s2 =	sld [smem:$0x3FC9]  }
0x91: {  	s19 =	sld [smem:$0x3FC8]  }
0x92: {  	s4 =	sld [smem:$0x3FD0];
	(tm) =	ssettm $0x1  }
0x93: {  	s5 =	sld [smem:$0x3FFB];
	_ =	sdelay $0x3  }
0x94: {  	_ =	strace s5  }
0x95: {  	s5 =	sld [smem:$0x3FFC];
	_ =	sdelay $0x3  }
0x96: {  	_ =	strace s5  }
0x97: {  	s5 =	sld [smem:$0x3FFD];
	_ =	sdelay $0x3  }
0x98: {  	_ =	strace s5  }
0x99: {  	_ =	strace $0x8FFFFFFF  }
0x9a: {  	s20 =	sld [smem:$0x3FDB];
	_ =	sdelay $0x1  }
0x9b: {  	s6 =	simm.s32 $_scs_section_size  }
0x9c: {  	s7 =	simm.s32 $_size__tile_overlayer_lowered;
	s8 =	simm.s32 $_tile_overlayer_lowered  }
0x9d: {  	s23 =	simm.s32 $0x1BFF;
	s22 =	sshll.u32 s8, $0x1;
	s5 =	sadd.s32 s6, s20  }
0x9e: {  	s9 =	simm.s32 $0x0;
	s21 =	sshll.u32 s7, $0x1;
	s7 =	sadd.s32 s22, s5  }
0x9f: {  	[timem:s9], [sflag:s23] =	dma.local [hbm:s7], s21  }
0xa0: {  	_ =	swait.ge [sflag:s23], s21  }
0xa1: {  	s6 =	ssub.s32 $0x0, s21;
	[sflag:s23] =	ssyncset.done $0x0  }
0xa2: {  	[sflag:s23] =	ssyncadd.s32 s6;
	_ =	sdelay $0x1  }
0xa3: {  	s24 =	simm.s32 $0x1B8B  }
0xa4: {  	_ =	swait.ge [sflag:s24], $0x1  }
0xa5: {  	[sflag:s24] =	ssyncset.done $0x0  }
0xa6: {  	s25 =	simm.s32 $0x1B8E;
	[sflag:s24] =	ssyncadd.s32 $0xFFFFFFFF  }
0xa7: {  	s26 =	simm.s32 $execute0_lowered;
	[smem:$0x3FD2] =	sst s25  }
0xa8: {  	s6 =	sshll.u32 s26, $0x1;
	_ =	strace $0x80000046;
	[dreg:$0x1] =	wrdreg $0xFFFFFFFF  }
0xa9: {  	s28 =	simm.s32 $_size_execute0_lowered;
	s5 =	sadd.s32 s5, s6;
	[dreg:$0x0] =	wrdreg $0x0  }
0xaa: {  	s6 =	sshll.u32 s28, $0x1;
	[dreg:$0x2] =	wrdreg s5  }
0xab: {  	[dreg:$0x3] =	wrdreg s6  }
0xac: {  	[dreg:$0x4] =	wrdreg $0xC0  }
0xad: {  	_ =	task [dreg:s9], $0x5FFFF  }
0xae: {  	[dreg:$0x1] =	wrdreg $0xFFFFFFFF  }
0xaf: {  	[dreg:$0x0] =	wrdreg $0x60  }
0xb0: {  	[dreg:$0x2] =	wrdreg s2  }
0xb1: {  	[dreg:$0x3] =	wrdreg s19  }
0xb2: {  	[dreg:$0x4] =	wrdreg s4  }
0xb3: {  	[dreg:$0x5] =	wrdreg $0x9  }
0xb4: {  	_ =	task.clear_ibuf [dreg:s9], $0x6FFFF;
	_ =	strace $0x90000046  }
0xb5: {  	s29 =	simm.s32 $0x9;
	_ =	strace $0x80000048  }
0xb6: {  	_ =	swait.ge [sflag:s29], $0x1  }
0xb7: {  	[sflag:s29] =	ssyncadd.s32 $0xFFFFFFFF  }
0xb8: {  	_ =	strace $0x90000048  }
0xb9: {  	_ =	sfence  }
0xba: {  	s30 =	sld [smem:$0x0];
	_ =	sdelay $0x2  }
0xbb: {  	s31 =	sshll.u32 s1, $0xD;
	s1 =	sshrl.u32 s1, $0x2  }
0xbc: {  	s3 =	sand.u32 $0x4000, s31;
	s1 =	sadd.s32 s1, s30  }
0xbd: {  	s0 =	sor.u32 s3, s0;
	s1 =	sshll.u32 s1, $0x11  }
0xbe: {  	s0 =	sor.u32 s1, s0  }
0xbf: {  	s0 =	sadd.s32 $0x8F2B, s0  }
0xc0: {  	[sflag:s0] =	ssyncadd.remote.s32 $0x1  }
0xc1: {  	_ =	sfence.sel $0xFFFF  }
0xc2: {  	[dreg:$0x0] =	wrdreg $0xFFFFFFFF;
	(pc) =	sbr.abs _section_cstart, $3  }
0xc3: {  	[dreg:$0x1] =	wrdreg $0xFFFFFFFF  }
0xc4: {  	_ =	task.clear_ibuf [dreg:s9], $0x2FFFF;
	_ =	strace $0x9FFFFFFF  }
0xc5: {  	(tm) =	ssettm $0x7FFFFFFF  }
tec
execute0_lowered:
.L_overlay_start_1:
0x0: {  	(tag) =	ssettag $0x1  }
0x1: {  	s0 =	rddreg [dreg:$0x0]  }
0x2: {  	s1 =	rddreg [dreg:$0x1]  }
0x3: {  	s11 =	rddreg [dreg:$0x2];
	s4 =	srdreg.scid  }
0x4: {  	s3 =	simm.s32 $0x0;
	s2 =	stileid.u32;
	s14 =	simm.s32 $0x20000  }
0x5: {  	s15 =	simm.s32 $0x80;
	s16 =	simm.s32 $0x6480;
	s17 =	simm.s32 $0xC880  }
0x6: {  	s18 =	simm.s32 $0x12C80;
	s19 =	simm.s32 $0x1;
	s20 =	simm.s32 $0x2  }
0x7: {  	s21 =	simm.s32 $0x3;
	s22 =	simm.s32 $0x4;
	s23 =	simm.s32 $0x5  }
0x8: {  	s24 =	simm.s32 $0x6;
	s25 =	simm.s32 $0x7;
	s26 =	simm.s32 $0x8  }
0x9: {  	s28 =	simm.s32 $0x9;
	s29 =	simm.s32 $0x0;
	s4 =	sand.u32 $0x1, s4  }
0xa: {  	s6 =	sshll.u32 s2, $0xA;
	s5 =	ssub.s32 $0x2, s4;
	s4 =	sshll.u32 s4, $0x9  }
0xb: {  	[smem:$0x7FF] =	sst s3;
	s7 =	sshrl.u32 s5, $0x1;
	s8 =	sor.u32 s4, s6  }
0xc: {  	_ =	strace $0x80000047;
	s12 =	ssub.s32 s5, s7;
	s4 =	sadd.s32 s0, s8  }
0xd: {  	s9 =	sor.u32 $0x80, s8;
	s10 =	sor.u32 $0x100, s8;
	s13 =	sor.u32 $0x180, s8  }
0xe: {  	s8 =	sadd.s32 s11, s8;
	s5 =	sadd.s32 s0, s9;
	s6 =	sadd.s32 s0, s10  }
0xf: {  	s7 =	sadd.s32 s0, s13;
	s9 =	sadd.s32 s11, s9;
	s10 =	sadd.s32 s11, s10  }
0x10: {  	s11 =	sadd.s32 s11, s13;
	s12 =	smax.u32 s12, $0x1;
	s13 =	simm.s32 $0x400  }
.LBB2_1:
0x11: {  	[tilespmem:s3], [sflag:$0x1] =	stream.linear.gather [hbm4b:s1+s3], $0x80, $0x38;
	[tilespmem:$0x19080] =	vst v63  }
0x12: {  	_ = 	snop  }
0x13: {  	[tilespmem:s15], [sflag:$0x2] =	stream.strided.gather [hbm4b:s4+s13], $0x6400, s14, s13, $0x38;
	[tilespmem:$0x19080] =	vst v63  }
0x14: {  	_ = 	snop  }
0x15: {  	[tilespmem:s16], [sflag:$0x3] =	stream.strided.gather [hbm4b:s5+s13], $0x6400, s14, s13, $0x38;
	[tilespmem:$0x19080] =	vst v63  }
0x16: {  	_ = 	snop  }
0x17: {  	[tilespmem:s17], [sflag:$0x4] =	stream.strided.gather [hbm4b:s6+s13], $0x6400, s14, s13, $0x38;
	[tilespmem:$0x19080] =	vst v63  }
0x18: {  	_ = 	snop  }
0x19: {  	[tilespmem:s18], [sflag:$0x5] =	stream.strided.gather [hbm4b:s7+s13], $0x6400, s14, s13, $0x38;
	[tilespmem:$0x19080] =	vst v63  }
0x1a: {  	_ =	swait.ge [sflag:s19], $0x80  }
0x1b: {  	[sflag:s19] =	ssyncset.done $0x0  }
0x1c: {  	[sflag:s19] =	ssyncadd.s32 $0xFFFFFF80  }
0x1d: {  	v0 =	vld [tilespmem:$0x0];
	_ =	swait.ge [sflag:s20], $0x6400  }
0x1e: {  	[sflag:s20] =	ssyncset.done $0x0  }
0x1f: {  	s30 =	simm.s32 $0x100;
	[sflag:s20] =	ssyncadd.s32 $0xFFFF9C00  }
0x20: {  	v1 =	vld [tilespmem:s30+$0x70]  }
0x21: {  	v2 =	vld [tilespmem:s30+$0xFFFFFF90]  }
0x22: {  	v3 =	vld [tilespmem:s30+$0xFFFFFFA0]  }
0x23: {  	v4 =	vld [tilespmem:s30+$0xFFFFFFB0]  }
0x24: {  	v5 =	vld [tilespmem:s30+$0xFFFFFFC0]  }
0x25: {  	v6 =	vld [tilespmem:s30+$0xFFFFFFD0];
	v1 =	vperm.xlane v0, v1  }
0x26: {  	v7 =	vld [tilespmem:s30+$0xFFFFFFE0];
	v2 =	vperm.xlane v0, v2  }
0x27: {  	v8 =	vld [tilespmem:s30+$0xFFFFFFF0];
	v3 =	vperm.xlane v0, v3;
	[tilespmem:s30+$0x70] =	vst v1  }
0x28: {  	[tilespmem:s30+$0xFFFFFF90] =	vst v2;
	v1 =	vperm.xlane v0, v4;
	v4 =	vld [tilespmem:s30+$0x0]  }
0x29: {  	[tilespmem:s30+$0xFFFFFFA0] =	vst v3;
	v2 =	vperm.xlane v0, v5;
	v5 =	vld [tilespmem:s30+$0x10]  }
0x2a: {  	v9 =	vld [tilespmem:s30+$0x20];
	v3 =	vperm.xlane v0, v6;
	[tilespmem:s30+$0xFFFFFFB0] =	vst v1  }
0x2b: {  	v6 =	vperm.xlane v0, v7;
	[tilespmem:s30+$0xFFFFFFC0] =	vst v2;
	v1 =	vld [tilespmem:s30+$0x30]  }
0x2c: {  	v7 =	vperm.xlane v0, v8;
	[tilespmem:s30+$0xFFFFFFD0] =	vst v3;
	v2 =	vld [tilespmem:s30+$0x40]  }
0x2d: {  	[tilespmem:s30+$0xFFFFFFE0] =	vst v6;
	v3 =	vld [tilespmem:s30+$0x50];
	v8 =	vperm.xlane v0, v4  }
0x2e: {  	[tilespmem:s30+$0xFFFFFFF0] =	vst v7;
	v4 =	vld [tilespmem:s30+$0x60];
	v6 =	vperm.xlane v0, v5  }
0x2f: {  	s31 =	simm.s32 $0x0;
	s0 =	simm.s32 $0x200;
	v7 =	vperm.xlane v0, v9;
	v5 =	vld [tilespmem:s30+$0xFFFFFF80];
	[tilespmem:s30+$0x0] =	vst v8  }
.LBB2_2:
0x30: {  	v8 =	vld [tilespmem:s0+$0x70];
	s31 =	sadd.s32 $0x2, s31;
	[tilespmem:s30+$0x10] =	vst v6;
	v1 =	vperm.xlane v0, v1  }
0x31: {  	v6 =	vld [tilespmem:s0+$0xFFFFFF90];
	p0 =	slt.u32 s31, $0xC6;
	[tilespmem:s30+$0x20] =	vst v7;
	v2 =	vperm.xlane v0, v2  }
0x32: {  	v7 =	vld [tilespmem:s0+$0xFFFFFFA0];
	[tilespmem:s30+$0x30] =	vst v1;
	v1 =	vperm.xlane v0, v3  }
0x33: {  	v3 =	vld [tilespmem:s0+$0xFFFFFFB0];
	[tilespmem:s30+$0x40] =	vst v2;
	v2 =	vperm.xlane v0, v4  }
0x34: {  	v4 =	vld [tilespmem:s0+$0xFFFFFFC0];
	v5 =	vperm.xlane v0, v5;
	[tilespmem:s30+$0x50] =	vst v1  }
0x35: {  	v1 =	vld [tilespmem:s0+$0xFFFFFFD0];
	v8 =	vperm.xlane v0, v8;
	[tilespmem:s30+$0x60] =	vst v2  }
0x36: {  	v2 =	vperm.xlane v0, v6;
	v6 =	vld [tilespmem:s0+$0xFFFFFFE0];
	[tilespmem:s30+$0xFFFFFF80] =	vst v5;
	s30 =	smov.u32 s0  }
0x37: {  	v5 =	vperm.xlane v0, v7;
	v7 =	vld [tilespmem:s0+$0xFFFFFFF0];
	[tilespmem:s0+$0x70] =	vst v8  }
0x38: {  	[tilespmem:s0+$0xFFFFFF90] =	vst v2;
	v2 =	vperm.xlane v0, v3;
	v3 =	vld [tilespmem:s0+$0x0]  }
0x39: {  	[tilespmem:s0+$0xFFFFFFA0] =	vst v5;
	v4 =	vperm.xlane v0, v4;
	v5 =	vld [tilespmem:s0+$0x10]  }
0x3a: {  	[tilespmem:s0+$0xFFFFFFB0] =	vst v2;
	v2 =	vperm.xlane v0, v1;
	v8 =	vld [tilespmem:s0+$0x20]  }
.Ltmp0:
0x3b: {  	[tilespmem:s0+$0xFFFFFFC0] =	vst v4;
	v4 =	vperm.xlane v0, v6;
	v1 =	vld [tilespmem:s0+$0x30];
	(pc) =	sbr.rel @p0 .LBB2_2-.Ltmp0, $4  }
0x3c: {  	[tilespmem:s0+$0xFFFFFFD0] =	vst v2;
	v6 =	vperm.xlane v0, v7;
	v2 =	vld [tilespmem:s0+$0x40]  }
0x3d: {  	[tilespmem:s0+$0xFFFFFFE0] =	vst v4;
	v7 =	vperm.xlane v0, v3;
	v3 =	vld [tilespmem:s0+$0x50]  }
0x3e: {  	[tilespmem:s0+$0xFFFFFFF0] =	vst v6;
	v6 =	vperm.xlane v0, v5;
	v4 =	vld [tilespmem:s0+$0x60]  }
0x3f: {  	s0 =	sadd.s32 $0x100, s0;
	v5 =	vld [tilespmem:s30+$0xFFFFFF80];
	[tilespmem:s30+$0x0] =	vst v7;
	v7 =	vperm.xlane v0, v8  }
0x40: {  	[tilespmem:s30+$0x10] =	vst v6;
	v1 =	vperm.xlane v0, v1  }
0x41: {  	[tilespmem:s30+$0x20] =	vst v7;
	v2 =	vperm.xlane v0, v2  }
0x42: {  	[tilespmem:s30+$0x30] =	vst v1;
	v1 =	vperm.xlane v0, v3  }
0x43: {  	[tilespmem:s30+$0x40] =	vst v2;
	v2 =	vperm.xlane v0, v4  }
0x44: {  	v3 =	vperm.xlane v0, v5;
	[tilespmem:s30+$0x50] =	vst v1  }
0x45: {  	[tilespmem:s30+$0x60] =	vst v2  }
0x46: {  	[tilespmem:s30+$0xFFFFFF80] =	vst v3  }
0x47: {  	[hbm4b:s8+s13] =	stream.strided.scatter [tilespmem:s15], [sflag:$0x6], $0x6400, s14, s13, $0x38;
	[tilespmem:$0x19080] =	vst v63  }
0x48: {  	_ =	swait.ge [sflag:s21], $0x6400  }
0x49: {  	[sflag:s21] =	ssyncset.done $0x0  }
0x4a: {  	s30 =	simm.s32 $0x6480;
	[sflag:s21] =	ssyncadd.s32 $0xFFFF9C00  }
0x4b: {  	v1 =	vld [tilespmem:s30+$0xF0]  }
0x4c: {  	v2 =	vld [tilespmem:s30+$0x10]  }
0x4d: {  	v3 =	vld [tilespmem:s30+$0x20]  }
0x4e: {  	v4 =	vld [tilespmem:s30+$0x30]  }
0x4f: {  	v5 =	vld [tilespmem:s30+$0x40]  }
0x50: {  	v6 =	vld [tilespmem:s30+$0x50];
	v1 =	vperm.xlane v0, v1  }
0x51: {  	v7 =	vld [tilespmem:s30+$0x60];
	v2 =	vperm.xlane v0, v2  }
0x52: {  	v8 =	vld [tilespmem:s30+$0x70];
	v3 =	vperm.xlane v0, v3;
	[tilespmem:s30+$0xF0] =	vst v1  }
0x53: {  	[tilespmem:s30+$0x10] =	vst v2;
	v1 =	vperm.xlane v0, v4;
	v4 =	vld [tilespmem:s30+$0x80]  }
0x54: {  	[tilespmem:s30+$0x20] =	vst v3;
	v2 =	vperm.xlane v0, v5;
	v5 =	vld [tilespmem:s30+$0x90]  }
0x55: {  	v9 =	vld [tilespmem:s30+$0xA0];
	v3 =	vperm.xlane v0, v6;
	[tilespmem:s30+$0x30] =	vst v1  }
0x56: {  	v6 =	vperm.xlane v0, v7;
	[tilespmem:s30+$0x40] =	vst v2;
	v1 =	vld [tilespmem:s30+$0xB0]  }
0x57: {  	v7 =	vperm.xlane v0, v8;
	[tilespmem:s30+$0x50] =	vst v3;
	v2 =	vld [tilespmem:s30+$0xC0]  }
0x58: {  	[tilespmem:s30+$0x60] =	vst v6;
	v3 =	vld [tilespmem:s30+$0xD0];
	v8 =	vperm.xlane v0, v4  }
0x59: {  	[tilespmem:s30+$0x70] =	vst v7;
	v4 =	vld [tilespmem:s30+$0xE0];
	v6 =	vperm.xlane v0, v5  }
0x5a: {  	s31 =	simm.s32 $0x0;
	s0 =	simm.s32 $0x6580;
	v7 =	vperm.xlane v0, v9;
	v5 =	vld [tilespmem:s30+$0x0];
	[tilespmem:s30+$0x80] =	vst v8  }
.LBB2_4:
0x5b: {  	v8 =	vld [tilespmem:s0+$0xF0];
	s31 =	sadd.s32 $0x2, s31;
	[tilespmem:s30+$0x90] =	vst v6;
	v1 =	vperm.xlane v0, v1  }
0x5c: {  	v6 =	vld [tilespmem:s0+$0x10];
	p0 =	slt.u32 s31, $0xC6;
	[tilespmem:s30+$0xA0] =	vst v7;
	v2 =	vperm.xlane v0, v2  }
0x5d: {  	v7 =	vld [tilespmem:s0+$0x20];
	[tilespmem:s30+$0xB0] =	vst v1;
	v1 =	vperm.xlane v0, v3  }
0x5e: {  	v3 =	vld [tilespmem:s0+$0x30];
	[tilespmem:s30+$0xC0] =	vst v2;
	v2 =	vperm.xlane v0, v4  }
0x5f: {  	v4 =	vld [tilespmem:s0+$0x40];
	v5 =	vperm.xlane v0, v5;
	[tilespmem:s30+$0xD0] =	vst v1  }
0x60: {  	v1 =	vld [tilespmem:s0+$0x50];
	v8 =	vperm.xlane v0, v8;
	[tilespmem:s30+$0xE0] =	vst v2  }
0x61: {  	v2 =	vperm.xlane v0, v6;
	v6 =	vld [tilespmem:s0+$0x60];
	[tilespmem:s30+$0x0] =	vst v5;
	s30 =	smov.u32 s0  }
0x62: {  	v5 =	vperm.xlane v0, v7;
	v7 =	vld [tilespmem:s0+$0x70];
	[tilespmem:s0+$0xF0] =	vst v8  }
0x63: {  	[tilespmem:s0+$0x10] =	vst v2;
	v2 =	vperm.xlane v0, v3;
	v3 =	vld [tilespmem:s0+$0x80]  }
0x64: {  	[tilespmem:s0+$0x20] =	vst v5;
	v4 =	vperm.xlane v0, v4;
	v5 =	vld [tilespmem:s0+$0x90]  }
0x65: {  	[tilespmem:s0+$0x30] =	vst v2;
	v2 =	vperm.xlane v0, v1;
	v8 =	vld [tilespmem:s0+$0xA0]  }
.Ltmp1:
0x66: {  	[tilespmem:s0+$0x40] =	vst v4;
	v4 =	vperm.xlane v0, v6;
	v1 =	vld [tilespmem:s0+$0xB0];
	(pc) =	sbr.rel @p0 .LBB2_4-.Ltmp1, $4  }
0x67: {  	[tilespmem:s0+$0x50] =	vst v2;
	v6 =	vperm.xlane v0, v7;
	v2 =	vld [tilespmem:s0+$0xC0]  }
0x68: {  	[tilespmem:s0+$0x60] =	vst v4;
	v7 =	vperm.xlane v0, v3;
	v3 =	vld [tilespmem:s0+$0xD0]  }
0x69: {  	[tilespmem:s0+$0x70] =	vst v6;
	v6 =	vperm.xlane v0, v5;
	v4 =	vld [tilespmem:s0+$0xE0]  }
0x6a: {  	s0 =	sadd.s32 $0x100, s0;
	v5 =	vld [tilespmem:s30+$0x0];
	[tilespmem:s30+$0x80] =	vst v7;
	v7 =	vperm.xlane v0, v8  }
0x6b: {  	[tilespmem:s30+$0x90] =	vst v6;
	v1 =	vperm.xlane v0, v1  }
0x6c: {  	[tilespmem:s30+$0xA0] =	vst v7;
	v2 =	vperm.xlane v0, v2  }
0x6d: {  	[tilespmem:s30+$0xB0] =	vst v1;
	v1 =	vperm.xlane v0, v3  }
0x6e: {  	[tilespmem:s30+$0xC0] =	vst v2;
	v2 =	vperm.xlane v0, v4  }
0x6f: {  	v3 =	vperm.xlane v0, v5;
	[tilespmem:s30+$0xD0] =	vst v1  }
0x70: {  	[tilespmem:s30+$0xE0] =	vst v2  }
0x71: {  	[tilespmem:s30+$0x0] =	vst v3  }
0x72: {  	[hbm4b:s9+s13] =	stream.strided.scatter [tilespmem:s16], [sflag:$0x7], $0x6400, s14, s13, $0x38;
	[tilespmem:$0x19080] =	vst v63  }
0x73: {  	_ =	swait.ge [sflag:s22], $0x6400  }
0x74: {  	[sflag:s22] =	ssyncset.done $0x0  }
0x75: {  	s30 =	simm.s32 $0xC880;
	[sflag:s22] =	ssyncadd.s32 $0xFFFF9C00  }
0x76: {  	v1 =	vld [tilespmem:s30+$0xF0]  }
0x77: {  	v2 =	vld [tilespmem:s30+$0x10]  }
0x78: {  	v3 =	vld [tilespmem:s30+$0x20]  }
0x79: {  	v4 =	vld [tilespmem:s30+$0x30]  }
0x7a: {  	v5 =	vld [tilespmem:s30+$0x40]  }
0x7b: {  	v6 =	vld [tilespmem:s30+$0x50];
	v1 =	vperm.xlane v0, v1  }
0x7c: {  	v7 =	vld [tilespmem:s30+$0x60];
	v2 =	vperm.xlane v0, v2  }
0x7d: {  	v8 =	vld [tilespmem:s30+$0x70];
	v3 =	vperm.xlane v0, v3;
	[tilespmem:s30+$0xF0] =	vst v1  }
0x7e: {  	[tilespmem:s30+$0x10] =	vst v2;
	v1 =	vperm.xlane v0, v4;
	v4 =	vld [tilespmem:s30+$0x80]  }
0x7f: {  	[tilespmem:s30+$0x20] =	vst v3;
	v2 =	vperm.xlane v0, v5;
	v5 =	vld [tilespmem:s30+$0x90]  }
0x80: {  	v9 =	vld [tilespmem:s30+$0xA0];
	v3 =	vperm.xlane v0, v6;
	[tilespmem:s30+$0x30] =	vst v1  }
0x81: {  	v6 =	vperm.xlane v0, v7;
	[tilespmem:s30+$0x40] =	vst v2;
	v1 =	vld [tilespmem:s30+$0xB0]  }
0x82: {  	v7 =	vperm.xlane v0, v8;
	[tilespmem:s30+$0x50] =	vst v3;
	v2 =	vld [tilespmem:s30+$0xC0]  }
0x83: {  	[tilespmem:s30+$0x60] =	vst v6;
	v3 =	vld [tilespmem:s30+$0xD0];
	v8 =	vperm.xlane v0, v4  }
0x84: {  	[tilespmem:s30+$0x70] =	vst v7;
	v4 =	vld [tilespmem:s30+$0xE0];
	v6 =	vperm.xlane v0, v5  }
0x85: {  	s31 =	simm.s32 $0x0;
	s0 =	simm.s32 $0xC980;
	v7 =	vperm.xlane v0, v9;
	v5 =	vld [tilespmem:s30+$0x0];
	[tilespmem:s30+$0x80] =	vst v8  }
.LBB2_6:
0x86: {  	v8 =	vld [tilespmem:s0+$0xF0];
	s31 =	sadd.s32 $0x2, s31;
	[tilespmem:s30+$0x90] =	vst v6;
	v1 =	vperm.xlane v0, v1  }
0x87: {  	v6 =	vld [tilespmem:s0+$0x10];
	p0 =	slt.u32 s31, $0xC6;
	[tilespmem:s30+$0xA0] =	vst v7;
	v2 =	vperm.xlane v0, v2  }
0x88: {  	v7 =	vld [tilespmem:s0+$0x20];
	[tilespmem:s30+$0xB0] =	vst v1;
	v1 =	vperm.xlane v0, v3  }
0x89: {  	v3 =	vld [tilespmem:s0+$0x30];
	[tilespmem:s30+$0xC0] =	vst v2;
	v2 =	vperm.xlane v0, v4  }
0x8a: {  	v4 =	vld [tilespmem:s0+$0x40];
	v5 =	vperm.xlane v0, v5;
	[tilespmem:s30+$0xD0] =	vst v1  }
0x8b: {  	v1 =	vld [tilespmem:s0+$0x50];
	v8 =	vperm.xlane v0, v8;
	[tilespmem:s30+$0xE0] =	vst v2  }
0x8c: {  	v2 =	vperm.xlane v0, v6;
	v6 =	vld [tilespmem:s0+$0x60];
	[tilespmem:s30+$0x0] =	vst v5;
	s30 =	smov.u32 s0  }
0x8d: {  	v5 =	vperm.xlane v0, v7;
	v7 =	vld [tilespmem:s0+$0x70];
	[tilespmem:s0+$0xF0] =	vst v8  }
0x8e: {  	[tilespmem:s0+$0x10] =	vst v2;
	v2 =	vperm.xlane v0, v3;
	v3 =	vld [tilespmem:s0+$0x80]  }
0x8f: {  	[tilespmem:s0+$0x20] =	vst v5;
	v4 =	vperm.xlane v0, v4;
	v5 =	vld [tilespmem:s0+$0x90]  }
0x90: {  	[tilespmem:s0+$0x30] =	vst v2;
	v2 =	vperm.xlane v0, v1;
	v8 =	vld [tilespmem:s0+$0xA0]  }
.Ltmp2:
0x91: {  	[tilespmem:s0+$0x40] =	vst v4;
	v4 =	vperm.xlane v0, v6;
	v1 =	vld [tilespmem:s0+$0xB0];
	(pc) =	sbr.rel @p0 .LBB2_6-.Ltmp2, $4  }
0x92: {  	[tilespmem:s0+$0x50] =	vst v2;
	v6 =	vperm.xlane v0, v7;
	v2 =	vld [tilespmem:s0+$0xC0]  }
0x93: {  	[tilespmem:s0+$0x60] =	vst v4;
	v7 =	vperm.xlane v0, v3;
	v3 =	vld [tilespmem:s0+$0xD0]  }
0x94: {  	[tilespmem:s0+$0x70] =	vst v6;
	v6 =	vperm.xlane v0, v5;
	v4 =	vld [tilespmem:s0+$0xE0]  }
0x95: {  	s0 =	sadd.s32 $0x100, s0;
	v5 =	vld [tilespmem:s30+$0x0];
	[tilespmem:s30+$0x80] =	vst v7;
	v7 =	vperm.xlane v0, v8  }
0x96: {  	[tilespmem:s30+$0x90] =	vst v6;
	v1 =	vperm.xlane v0, v1  }
0x97: {  	[tilespmem:s30+$0xA0] =	vst v7;
	v2 =	vperm.xlane v0, v2  }
0x98: {  	[tilespmem:s30+$0xB0] =	vst v1;
	v1 =	vperm.xlane v0, v3  }
0x99: {  	[tilespmem:s30+$0xC0] =	vst v2;
	v2 =	vperm.xlane v0, v4  }
0x9a: {  	v3 =	vperm.xlane v0, v5;
	[tilespmem:s30+$0xD0] =	vst v1  }
0x9b: {  	[tilespmem:s30+$0xE0] =	vst v2  }
0x9c: {  	[tilespmem:s30+$0x0] =	vst v3  }
0x9d: {  	[hbm4b:s10+s13] =	stream.strided.scatter [tilespmem:s17], [sflag:$0x8], $0x6400, s14, s13, $0x38;
	[tilespmem:$0x19080] =	vst v63  }
0x9e: {  	_ =	swait.ge [sflag:s23], $0x6400  }
0x9f: {  	[sflag:s23] =	ssyncset.done $0x0  }
0xa0: {  	s30 =	simm.s32 $0x12C80;
	[sflag:s23] =	ssyncadd.s32 $0xFFFF9C00  }
0xa1: {  	v1 =	vld [tilespmem:s30+$0xF0]  }
0xa2: {  	v2 =	vld [tilespmem:s30+$0x10]  }
0xa3: {  	v3 =	vld [tilespmem:s30+$0x20]  }
0xa4: {  	v4 =	vld [tilespmem:s30+$0x30]  }
0xa5: {  	v5 =	vld [tilespmem:s30+$0x40]  }
0xa6: {  	v6 =	vld [tilespmem:s30+$0x50];
	v1 =	vperm.xlane v0, v1  }
0xa7: {  	v7 =	vld [tilespmem:s30+$0x60];
	v2 =	vperm.xlane v0, v2  }
0xa8: {  	v8 =	vld [tilespmem:s30+$0x70];
	v3 =	vperm.xlane v0, v3;
	[tilespmem:s30+$0xF0] =	vst v1  }
0xa9: {  	[tilespmem:s30+$0x10] =	vst v2;
	v1 =	vperm.xlane v0, v4;
	v4 =	vld [tilespmem:s30+$0x80]  }
0xaa: {  	[tilespmem:s30+$0x20] =	vst v3;
	v2 =	vperm.xlane v0, v5;
	v5 =	vld [tilespmem:s30+$0x90]  }
0xab: {  	v9 =	vld [tilespmem:s30+$0xA0];
	v3 =	vperm.xlane v0, v6;
	[tilespmem:s30+$0x30] =	vst v1  }
0xac: {  	v6 =	vperm.xlane v0, v7;
	[tilespmem:s30+$0x40] =	vst v2;
	v1 =	vld [tilespmem:s30+$0xB0]  }
0xad: {  	v7 =	vperm.xlane v0, v8;
	[tilespmem:s30+$0x50] =	vst v3;
	v2 =	vld [tilespmem:s30+$0xC0]  }
0xae: {  	[tilespmem:s30+$0x60] =	vst v6;
	v3 =	vld [tilespmem:s30+$0xD0];
	v8 =	vperm.xlane v0, v4  }
0xaf: {  	[tilespmem:s30+$0x70] =	vst v7;
	v4 =	vld [tilespmem:s30+$0xE0];
	v6 =	vperm.xlane v0, v5  }
0xb0: {  	s31 =	simm.s32 $0x0;
	s0 =	simm.s32 $0x12D80;
	v7 =	vperm.xlane v0, v9;
	v5 =	vld [tilespmem:s30+$0x0];
	[tilespmem:s30+$0x80] =	vst v8  }
.LBB2_8:
0xb1: {  	v8 =	vld [tilespmem:s0+$0xF0];
	s31 =	sadd.s32 $0x2, s31;
	[tilespmem:s30+$0x90] =	vst v6;
	v1 =	vperm.xlane v0, v1  }
0xb2: {  	v6 =	vld [tilespmem:s0+$0x10];
	p0 =	slt.u32 s31, $0xC6;
	[tilespmem:s30+$0xA0] =	vst v7;
	v2 =	vperm.xlane v0, v2  }
0xb3: {  	v7 =	vld [tilespmem:s0+$0x20];
	[tilespmem:s30+$0xB0] =	vst v1;
	v1 =	vperm.xlane v0, v3  }
0xb4: {  	v3 =	vld [tilespmem:s0+$0x30];
	[tilespmem:s30+$0xC0] =	vst v2;
	v2 =	vperm.xlane v0, v4  }
0xb5: {  	v4 =	vld [tilespmem:s0+$0x40];
	v5 =	vperm.xlane v0, v5;
	[tilespmem:s30+$0xD0] =	vst v1  }
0xb6: {  	v1 =	vld [tilespmem:s0+$0x50];
	v8 =	vperm.xlane v0, v8;
	[tilespmem:s30+$0xE0] =	vst v2  }
0xb7: {  	v2 =	vperm.xlane v0, v6;
	v6 =	vld [tilespmem:s0+$0x60];
	[tilespmem:s30+$0x0] =	vst v5;
	s30 =	smov.u32 s0  }
0xb8: {  	v5 =	vperm.xlane v0, v7;
	v7 =	vld [tilespmem:s0+$0x70];
	[tilespmem:s0+$0xF0] =	vst v8  }
0xb9: {  	[tilespmem:s0+$0x10] =	vst v2;
	v2 =	vperm.xlane v0, v3;
	v3 =	vld [tilespmem:s0+$0x80]  }
0xba: {  	[tilespmem:s0+$0x20] =	vst v5;
	v4 =	vperm.xlane v0, v4;
	v5 =	vld [tilespmem:s0+$0x90]  }
0xbb: {  	[tilespmem:s0+$0x30] =	vst v2;
	v2 =	vperm.xlane v0, v1;
	v8 =	vld [tilespmem:s0+$0xA0]  }
.Ltmp3:
0xbc: {  	[tilespmem:s0+$0x40] =	vst v4;
	v4 =	vperm.xlane v0, v6;
	v1 =	vld [tilespmem:s0+$0xB0];
	(pc) =	sbr.rel @p0 .LBB2_8-.Ltmp3, $4  }
0xbd: {  	[tilespmem:s0+$0x50] =	vst v2;
	v6 =	vperm.xlane v0, v7;
	v2 =	vld [tilespmem:s0+$0xC0]  }
0xbe: {  	[tilespmem:s0+$0x60] =	vst v4;
	v7 =	vperm.xlane v0, v3;
	v3 =	vld [tilespmem:s0+$0xD0]  }
0xbf: {  	[tilespmem:s0+$0x70] =	vst v6;
	v6 =	vperm.xlane v0, v5;
	v4 =	vld [tilespmem:s0+$0xE0]  }
0xc0: {  	s0 =	sadd.s32 $0x100, s0;
	v5 =	vld [tilespmem:s30+$0x0];
	[tilespmem:s30+$0x80] =	vst v7;
	v7 =	vperm.xlane v0, v8  }
0xc1: {  	[tilespmem:s30+$0x90] =	vst v6;
	v1 =	vperm.xlane v0, v1  }
0xc2: {  	[tilespmem:s30+$0xA0] =	vst v7;
	v2 =	vperm.xlane v0, v2  }
0xc3: {  	[tilespmem:s30+$0xB0] =	vst v1;
	v61 =	vperm.xlane v0, v3  }
0xc4: {  	[tilespmem:s30+$0xC0] =	vst v2;
	v62 =	vperm.xlane v0, v4  }
0xc5: {  	v63 =	vperm.xlane v0, v5;
	[tilespmem:s30+$0xD0] =	vst v61  }
0xc6: {  	[tilespmem:s30+$0xE0] =	vst v62  }
0xc7: {  	[tilespmem:s30+$0x0] =	vst v63  }
0xc8: {  	[hbm4b:s11+s13] =	stream.strided.scatter [tilespmem:s18], [sflag:$0x9], $0x6400, s14, s13, $0x38;
	[tilespmem:$0x19080] =	vst v63  }
0xc9: {  	_ =	swait.ge [sflag:s24], $0x6400  }
0xca: {  	[sflag:s24] =	ssyncset.done $0x0  }
0xcb: {  	[sflag:s24] =	ssyncadd.s32 $0xFFFF9C00  }
0xcc: {  	_ =	swait.ge [sflag:s25], $0x6400  }
0xcd: {  	[sflag:s25] =	ssyncset.done $0x0  }
0xce: {  	s29 =	sadd.s32 $0x1, s29;
	[sflag:s25] =	ssyncadd.s32 $0xFFFF9C00  }
0xcf: {  	p0 =	sne.s32 s29, s12;
	_ =	swait.ge [sflag:s26], $0x6400  }
.Ltmp4:
0xd0: {  	[sflag:s26] =	ssyncset.done $0x0;
	(pc) =	sbr.rel @p0 .LBB2_1-.Ltmp4, $4  }
0xd1: {  	[sflag:s26] =	ssyncadd.s32 $0xFFFF9C00  }
0xd2: {  	_ =	swait.ge [sflag:s28], $0x6400  }
0xd3: {  	[sflag:s28] =	ssyncset.done $0x0  }
0xd4: {  	[sflag:s28] =	ssyncadd.s32 $0xFFFF9C00  }
0xd5: {  	_ =	sfence.sel $0x180000  }
0xd6: {  	[bflag:$0x0] =	sbarrier.arrive $0xFFFF  }
0xd7: {  	_ =	strace $0x90000047  }
0xd8: {  	[bflag:$0x2] =	sbarrier.arrive $0xFFFF  }
0xd9: {  	p0 =	sne.s32 s2, $0x0;
	s0 =	rddreg [dreg:$0x3]  }
0xda: {  	s0 =	sadd.s32 @!p0 $0x100000, s0  }
0xdb: {  	[sflag:s0] =	ssyncadd.tile.s32 @!p0 $0x1;
	_ =	shalt  }
.Lfunc_end2:
_tile_overlayer_lowered:
.L_overlay_start_2:
0xdc: {  	(tag) =	ssettag $0x2  }
0xdd: {  	s0 =	rddreg [dreg:$0x0];
	s2 =	stileid.u32  }
0xde: {  	s1 =	rddreg [dreg:$0x1];
	p0 =	sne.s32 s2, $0x0  }
0xdf: {  	s3 =	rddreg [dreg:$0x2];
	[bflag:$0x3] =	sbarrier.arrive $0xFFFF;
	s2 =	simm.s32 @!p0 $0x1C0A  }
0xe0: {  	[timem:s3], [sflag:s2] =	dma.local @!p0 [hbm:s0], s1  }
0xe1: {  	s0 =	simm.s32 @!p0 $0xA  }
0xe2: {  	_ =	swait.ge @!p0 [sflag:s0], s1  }
0xe3: {  	s1 =	ssub.s32 @!p0 $0x0, s1;
	[sflag:s0] =	ssyncset.done @!p0 $0x0  }
0xe4: {  	[sflag:s0] =	ssyncadd.s32 @!p0 s1  }
0xe5: {  	[bflag:$0x3] =	sbarrier.arrive $0xFFFF  }
0xe6: {  	_ =	shalt  }

</sc_bundles>
